<compile_context>
chip_gen: v7x
topology: tpu7x:2x2x1
jax: 0.10.2.dev20260603
libtpu: 0.0.44.dev20260713+nightly
codegen_flags: <defaults>
</compile_context>

<pallas_src>
import functools

import jax
import jax.numpy as jnp
import numpy as np
from jax import lax
from jax.experimental import pallas as pl
from jax.experimental.pallas import tpu as pltpu
from jax.experimental.pallas import tpu_sc as plsc

N_NODES = 10000
N_EDGES = 320000
C_IN = 16
C_OUT = 16
NBASIS = 16
HIDDEN = 256
ACT_NORM = 1.7130613088607788

NC = 2
NS = 16
NW = NC * NS
EPW = N_EDGES // NW
CH = 80
NCH = EPW // CH
GROUP = 5
NG = NCH // GROUP
ROWS_PER_TILE = N_NODES // NS

B_TC = 32000
GRID_TC = N_EDGES // B_TC
PACK = 128 // C_IN
E8 = N_EDGES // PACK
B8 = B_TC // PACK



def _tc_body(es_ref, x1_ref, attr_ref, w1_ref, w2_ref, r_ref, s_ref, a_ref,
             out_ref):
    w1 = w1_ref[...]
    w2 = w2_ref[...]
    r = r_ref[...]
    s = s_ref[...]
    attr_b = jnp.dot(attr_ref[...], a_ref[...],
                     preferred_element_type=jnp.float32)
    for p in range(PACK):
        sl = pl.ds(p * C_IN, C_IN)
        h = jnp.dot(es_ref[:, sl].astype(jnp.bfloat16), w1,
                    preferred_element_type=jnp.float32)
        h = jnp.maximum(h, 0.0)
        wt = jnp.dot(h.astype(jnp.bfloat16), w2,
                     preferred_element_type=jnp.float32)
        x1b = jnp.dot(x1_ref[:, sl].astype(jnp.bfloat16), r,
                      preferred_element_type=jnp.float32)
        ef = jnp.dot((wt * x1b).astype(jnp.bfloat16), s,
                     preferred_element_type=jnp.float32)
        out_ref[:, sl] = ef * attr_b[:, p * C_IN:(p + 1) * C_IN]


def _tc_call(es8, x18, attr8p, w1s, w2s, r, s, a):
    return pl.pallas_call(
        _tc_body,
        grid=(GRID_TC,),
        in_specs=[
            pl.BlockSpec((B8, 128), lambda i: (i, 0)),
            pl.BlockSpec((B8, 128), lambda i: (i, 0)),
            pl.BlockSpec((B8, PACK), lambda i: (i, 0)),
            pl.BlockSpec((NBASIS, HIDDEN), lambda i: (0, 0)),
            pl.BlockSpec((HIDDEN, HIDDEN), lambda i: (0, 0)),
            pl.BlockSpec((C_IN, HIDDEN), lambda i: (0, 0)),
            pl.BlockSpec((HIDDEN, C_OUT), lambda i: (0, 0)),
            pl.BlockSpec((PACK, 128), lambda i: (0, 0)),
        ],
        out_specs=pl.BlockSpec((B8, 128), lambda i: (i, 0)),
        out_shape=jax.ShapeDtypeStruct((E8, 128), jnp.float32),
    )(es8, x18, attr8p, w1s, w2s, r, s, a)



def _gather_x1(node_features, src3):
    mesh = plsc.VectorSubcoreMesh(core_axis_name="c", subcore_axis_name="s")

    @functools.partial(
        pl.kernel, mesh=mesh,
        out_type=jax.ShapeDtypeStruct((N_EDGES, C_IN), jnp.float32),
        scratch_types=[
            pltpu.VMEM((NCH, CH), jnp.int32),
            pltpu.VMEM((GROUP, CH, C_IN), jnp.float32),
            pltpu.SemaphoreType.DMA,
            pltpu.SemaphoreType.DMA,
        ],
        compiler_params=pltpu.CompilerParams(use_tc_tiling_on_sc=False),
    )
    def gk(table_hbm, src_hbm, out_hbm, idx_v, rows_v, gsem, wsem):
        wid = lax.axis_index("s") * NC + lax.axis_index("c")
        base = wid * EPW
        pltpu.sync_copy(src_hbm.at[wid], idx_v)

        def body(g, carry):
            j0 = g * GROUP
            cps = [
                pltpu.async_copy(table_hbm.at[idx_v.at[j0 + b]],
                                 rows_v.at[b], gsem)
                for b in range(GROUP)
            ]
            for cp in cps:
                cp.wait()
            wps = [
                pltpu.async_copy(
                    rows_v.at[b],
                    out_hbm.at[pl.ds(base + (j0 + b) * CH, CH)], wsem)
                for b in range(GROUP)
            ]
            for cp in wps:
                cp.wait()
            return carry

        lax.fori_loop(0, NG, body, 0)

    return gk(node_features, src3)



def _scatter_out(ef2, dst3, zeros):
    mesh = plsc.VectorSubcoreMesh(core_axis_name="c", subcore_axis_name="s")

    @functools.partial(
        pl.kernel, mesh=mesh,
        out_type=jax.ShapeDtypeStruct((NC, N_NODES, C_OUT), jnp.float32),
        scratch_types=[
            pltpu.VMEM((NCH, CH), jnp.int32),
            pltpu.VMEM((GROUP, CH, C_OUT), jnp.float32),
            pltpu.VMEM_SHARED((N_NODES, C_OUT), jnp.float32),
            pltpu.SemaphoreType.DMA,
        ],
        compiler_params=pltpu.CompilerParams(use_tc_tiling_on_sc=False),
    )
    def sk(ef_hbm, dst_hbm, z_hbm, out_hbm, idx_v, rows_v, acc, sem):
        c = lax.axis_index("c")
        s = lax.axis_index("s")
        wid = s * NC + c
        base = wid * EPW
        r0 = s * ROWS_PER_TILE
        pltpu.sync_copy(z_hbm.at[pl.ds(r0, ROWS_PER_TILE)],
                        acc.at[pl.ds(r0, ROWS_PER_TILE)])
        pltpu.sync_copy(dst_hbm.at[wid], idx_v)
        plsc.subcore_barrier()

        def body(g, carry):
            j0 = g * GROUP
            cps = [
                pltpu.async_copy(
                    ef_hbm.at[pl.ds(base + (j0 + b) * CH, CH)],
                    rows_v.at[b], sem)
                for b in range(GROUP)
            ]
            for cp in cps:
                cp.wait()
            for b in range(GROUP):
                pltpu.sync_copy(rows_v.at[b], acc.at[idx_v.at[j0 + b]],
                                add=True)
            return carry

        lax.fori_loop(0, NG, body, 0)
        plsc.subcore_barrier()
        pltpu.sync_copy(acc.at[pl.ds(r0, ROWS_PER_TILE)],
                        out_hbm.at[c, pl.ds(r0, ROWS_PER_TILE)])

    return sk(ef2, dst3, zeros)



def _combine_body(p_ref, o_ref):
    o_ref[...] = p_ref[0] + p_ref[1]


def _combine(partials):
    return pl.pallas_call(
        _combine_body,
        out_shape=jax.ShapeDtypeStruct((N_NODES, C_OUT), jnp.float32),
    )(partials)



def kernel(node_features, edge_src, edge_dst, edge_attr, edge_scalars,
           num_neighbors, W1, W2):
    nn = jnp.asarray(num_neighbors, jnp.float32)
    w1s = (W1 * np.float32(1.0 / np.sqrt(NBASIS))).astype(jnp.bfloat16)
    w2s = (W2 * (np.float32(ACT_NORM / (np.sqrt(HIDDEN) * np.sqrt(C_IN)))
                 / jnp.sqrt(nn))).astype(jnp.bfloat16)
    r = jnp.repeat(jnp.eye(C_IN, dtype=jnp.bfloat16), C_OUT, axis=1)
    s = jnp.tile(jnp.eye(C_OUT, dtype=jnp.bfloat16), (C_IN, 1))
    a = jnp.repeat(jnp.eye(PACK, dtype=jnp.float32), C_IN, axis=1)

    src3 = edge_src.reshape(NW, NCH, CH)
    dst3 = edge_dst.reshape(NW, NCH, CH)
    es8 = jnp.zeros((E8, 128), jnp.float32)
    attr8p = edge_attr.reshape(E8, PACK)

    x18 = _gather_x1(node_features, src3).reshape(E8, 128)
    ef = _tc_call(es8, x18, attr8p, w1s, w2s, r, s, a).reshape(N_EDGES, C_OUT)
    zeros = jnp.zeros((N_NODES, C_OUT), jnp.float32)
    partials = _scatter_out(ef, dst3, zeros)
    return _combine(partials)

# --- scband reference (transcript-rebuilt; emitter-appended) ---
"""Pipeline reference for scband-graph-conv-6098853560487 (READ-ONLY COPY).

The authoritative reference and input builder live on the scoring server;
editing this copy changes nothing except your own understanding.
"""

import jax, jax.numpy as jnp
import numpy as np

N_NODES = 10000
N_EDGES = 320000
C_IN = 16    # irreps_in = 16x0e (scalar channels)
C_SH = 1     # irreps_sh = 1x0e
C_OUT = 16   # irreps_out = 16x0e
NBASIS = 16  # num_basis_radial
HIDDEN = 256
WEIGHT_NUMEL = C_IN * C_SH * C_OUT  # uvw fully-connected tensor product weights per edge
ACT_NORM = 1.7130613088607788  # e3nn normalize2mom constant for relu


def setup_inputs(seed: int = 0) -> dict:
    key = jax.random.key(seed)
    ks = jax.random.split(key, 7)
    node_features = jax.random.normal(ks[0], (N_NODES, C_IN), dtype=jnp.float32)
    edge_src = jax.random.randint(ks[1], (N_EDGES,), 0, N_NODES, dtype=jnp.int32)
    edge_dst = jax.random.randint(ks[2], (N_EDGES,), 0, N_NODES, dtype=jnp.int32)
    edge_attr = jax.random.normal(ks[3], (N_EDGES, C_SH), dtype=jnp.float32)
    edge_scalars = jax.random.uniform(ks[4], (N_EDGES, NBASIS), dtype=jnp.float32)
    # learned parameters of e3nn FullyConnectedNet([NBASIS, 256, weight_numel], relu)
    W1 = jax.random.normal(ks[5], (NBASIS, HIDDEN), dtype=jnp.float32)
    W2 = jax.random.normal(ks[6], (HIDDEN, WEIGHT_NUMEL), dtype=jnp.float32)
    return {
        'node_features': node_features,
        'edge_src': edge_src,
        'edge_dst': edge_dst,
        'edge_attr': edge_attr,
        'edge_scalars': edge_scalars,
        'num_neighbors': 32,
        'W1': W1,
        'W2': W2,
    }


def reference(node_features, edge_src, edge_dst, edge_attr, edge_scalars, num_neighbors, W1, W2):
    # radial MLP: e3nn FullyConnectedNet divides each layer by sqrt(fan_in),
    # applies normalize2mom(relu) on hidden layers, no bias
    h = edge_scalars @ (W1 / np.sqrt(NBASIS))
    h = ACT_NORM * jax.nn.relu(h)
    weight = h @ (W2 / np.sqrt(HIDDEN))            # [E, weight_numel]
    w = weight.reshape(-1, C_IN, C_SH, C_OUT)      # per-edge uvw weights
    # gather source node features along edges (SparseCore gather)
    x1 = jnp.take(node_features, edge_src, axis=0)  # [E, C_IN]
    # fully-connected tensor product on scalar irreps with path normalization
    edge_features = jnp.einsum('euvw,eu,ev->ew', w, x1, edge_attr) / np.sqrt(C_IN * C_SH)
    # scatter-add over destination nodes (SparseCore scatter)
    out = jax.ops.segment_sum(edge_features, edge_dst, num_segments=node_features.shape[0])
    return out / (num_neighbors ** 0.5)

if __name__ == "__main__":
    import jax
    _d = setup_inputs()
    print(jax.jit(kernel)(*tuple(_d.values())))

</pallas_src>

<mosaic_0001>
#map = affine_map<(d0, d1) -> (0, 0)>
#map1 = affine_map<(d0, d1) -> (0, 0, 0)>
module attributes {stable_mosaic.version = 14 : i64} {
  func.func @gk(%arg0: i32, %arg1: i32, %arg2: memref<10000x16xf32, #tpu.memory_space<hbm>>, %arg3: memref<32x125x80xi32, #tpu.memory_space<hbm>>, %arg4: memref<320000x16xf32, #tpu.memory_space<hbm>>, %arg5: memref<125x80xi32, #tpu.memory_space<vmem>>, %arg6: memref<5x80x16xf32, #tpu.memory_space<vmem>>, %arg7: memref<!tpu.dma_semaphore, #tpu.memory_space<semaphore_mem>>, %arg8: memref<!tpu.dma_semaphore, #tpu.memory_space<semaphore_mem>>) attributes {dimension_semantics = [#tpu.dimension_semantics<core_parallel>, #tpu.dimension_semantics<subcore_parallel>], iteration_bounds = array<i64: 2, 16>, scalar_prefetch = 0 : i64, scratch_operands = 4 : i64, tpu.core_type = #tpu.core_type<sc_vector_subcore>, window_params = [{transform_indices = #map}, {transform_indices = #map1}, {transform_indices = #map}]} {
    %mul3A = arith.constant 2 : i32
    %mul3A_0 = arith.muli %arg1, %mul3A : i32
    %add3A = arith.addi %mul3A_0, %arg0 : i32
    %mul3A_1 = arith.constant 10000 : i32
    %mul3A_2 = arith.muli %add3A, %mul3A_1 : i32
    "tpu.region"() ({
      %run_scoped3A = tpu.sem_alloc : memref<!tpu.dma_semaphore, #tpu.memory_space<semaphore_mem>>
      %dma_start3A = arith.constant 0 : i32
      %dma_start3A_8 = arith.constant 0 : i32
      %dma_start3A_9 = tpu.memref_slice %arg3[%add3A, %dma_start3A, %dma_start3A_8] : memref<32x125x80xi32, #tpu.memory_space<hbm>> -> memref<1x125x80xi32, #tpu.memory_space<hbm>>
      %dma_start3A_10 = tpu.memref_squeeze %dma_start3A_9 : memref<1x125x80xi32, #tpu.memory_space<hbm>> -> memref<125x80xi32, #tpu.memory_space<hbm>>
      %dma_start3A_11 = arith.constant 0 : i32
      %dma_start3A_12 = arith.constant 0 : i32
      %dma_start3A_13 = tpu.memref_slice %arg3[%add3A, %dma_start3A_11, %dma_start3A_12] : memref<32x125x80xi32, #tpu.memory_space<hbm>> -> memref<1x125x80xi32, #tpu.memory_space<hbm>>
      %dma_start3A_14 = tpu.memref_squeeze %dma_start3A_13 : memref<1x125x80xi32, #tpu.memory_space<hbm>> -> memref<125x80xi32, #tpu.memory_space<hbm>>
      tpu.enqueue_dma source(%dma_start3A_14 : memref<125x80xi32, #tpu.memory_space<hbm>>) target(%arg5 : memref<125x80xi32, #tpu.memory_space<vmem>>) target_semaphore(%run_scoped3A : memref<!tpu.dma_semaphore, #tpu.memory_space<semaphore_mem>>)
      %dma_wait3A = arith.constant 0 : i32
      %dma_wait3A_15 = arith.constant 0 : i32
      %dma_wait3A_16 = tpu.memref_slice %arg3[%add3A, %dma_wait3A, %dma_wait3A_15] : memref<32x125x80xi32, #tpu.memory_space<hbm>> -> memref<1x125x80xi32, #tpu.memory_space<hbm>>
      %dma_wait3A_17 = tpu.memref_squeeze %dma_wait3A_16 : memref<1x125x80xi32, #tpu.memory_space<hbm>> -> memref<125x80xi32, #tpu.memory_space<hbm>>
      %dma_wait3A_18 = arith.constant 0 : i32
      %dma_wait3A_19 = arith.constant 0 : i32
      %dma_wait3A_20 = tpu.memref_slice %arg3[%add3A, %dma_wait3A_18, %dma_wait3A_19] : memref<32x125x80xi32, #tpu.memory_space<hbm>> -> memref<1x125x80xi32, #tpu.memory_space<hbm>>
      %dma_wait3A_21 = tpu.memref_squeeze %dma_wait3A_20 : memref<1x125x80xi32, #tpu.memory_space<hbm>> -> memref<125x80xi32, #tpu.memory_space<hbm>>
      tpu.wait_dma2 semaphore(%run_scoped3A : memref<!tpu.dma_semaphore, #tpu.memory_space<semaphore_mem>>) src(%dma_wait3A_21 : memref<125x80xi32, #tpu.memory_space<hbm>>) dst(%arg5 : memref<125x80xi32, #tpu.memory_space<vmem>>)
      tpu.yield
    }) : () -> ()
    %scan3A = arith.constant 0 : i32
    %scan3A_3 = arith.constant 0 : i32
    %scan3A_4 = arith.constant 25 : i32
    %scan3A_5 = arith.addi %scan3A_3, %scan3A_4 : i32
    %scan3A_6 = arith.constant 1 : i32
    scf.for %scan3A_8 = %scan3A_3 to %scan3A_5 step %scan3A_6  : i32 {
      %mul3A_9 = arith.constant 5 : i32
      %mul3A_10 = arith.muli %scan3A_8, %mul3A_9 : i32
      %add3A_11 = arith.constant 0 : i32
      %add3A_12 = arith.addi %mul3A_10, %add3A_11 : i32
      %dma_start3A = arith.constant 0 : i32
      %dma_start3A_13 = arith.constant 0 : i32
      %dma_start3A_14 = arith.constant 0 : i32
      %dma_start3A_15 = tpu.memref_slice %arg6[%dma_start3A, %dma_start3A_13, %dma_start3A_14] : memref<5x80x16xf32, #tpu.memory_space<vmem>> -> memref<1x80x16xf32, #tpu.memory_space<vmem>>
      %dma_start3A_16 = tpu.memref_squeeze %dma_start3A_15 : memref<1x80x16xf32, #tpu.memory_space<vmem>> -> memref<80x16xf32, #tpu.memory_space<vmem>>
      %dma_start3A_17 = arith.constant 0 : i32
      %dma_start3A_18 = tpu.memref_slice %arg5[%add3A_12, %dma_start3A_17] : memref<125x80xi32, #tpu.memory_space<vmem>> -> memref<1x80xi32, #tpu.memory_space<vmem>>
      %dma_start3A_19 = tpu.memref_squeeze %dma_start3A_18 : memref<1x80xi32, #tpu.memory_space<vmem>> -> memref<80xi32, #tpu.memory_space<vmem>>
      %dma_start3A_20 = arith.constant 0 : i32
      %dma_start3A_21 = arith.constant 0 : i32
      %dma_start3A_22 = tpu.memref_slice %arg2[%dma_start3A_20, %dma_start3A_21] : memref<10000x16xf32, #tpu.memory_space<hbm>> -> memref<10000x16xf32, #tpu.memory_space<hbm>>
      tpu.enqueue_indirect_dma source(%dma_start3A_22 : memref<10000x16xf32, #tpu.memory_space<hbm>>) target(%dma_start3A_16 : memref<80x16xf32, #tpu.memory_space<vmem>>) offsets(%dma_start3A_19 : memref<80xi32, #tpu.memory_space<vmem>>) semaphore(%arg7 : memref<!tpu.dma_semaphore, #tpu.memory_space<semaphore_mem>>)
      %add3A_23 = arith.constant 1 : i32
      %add3A_24 = arith.addi %mul3A_10, %add3A_23 : i32
      %dma_start3A_25 = arith.constant 1 : i32
      %dma_start3A_26 = arith.constant 0 : i32
      %dma_start3A_27 = arith.constant 0 : i32
      %dma_start3A_28 = tpu.memref_slice %arg6[%dma_start3A_25, %dma_start3A_26, %dma_start3A_27] : memref<5x80x16xf32, #tpu.memory_space<vmem>> -> memref<1x80x16xf32, #tpu.memory_space<vmem>>
      %dma_start3A_29 = tpu.memref_squeeze %dma_start3A_28 : memref<1x80x16xf32, #tpu.memory_space<vmem>> -> memref<80x16xf32, #tpu.memory_space<vmem>>
      %dma_start3A_30 = arith.constant 0 : i32
      %dma_start3A_31 = tpu.memref_slice %arg5[%add3A_24, %dma_start3A_30] : memref<125x80xi32, #tpu.memory_space<vmem>> -> memref<1x80xi32, #tpu.memory_space<vmem>>
      %dma_start3A_32 = tpu.memref_squeeze %dma_start3A_31 : memref<1x80xi32, #tpu.memory_space<vmem>> -> memref<80xi32, #tpu.memory_space<vmem>>
      %dma_start3A_33 = arith.constant 0 : i32
      %dma_start3A_34 = arith.constant 0 : i32
      %dma_start3A_35 = tpu.memref_slice %arg2[%dma_start3A_33, %dma_start3A_34] : memref<10000x16xf32, #tpu.memory_space<hbm>> -> memref<10000x16xf32, #tpu.memory_space<hbm>>
      tpu.enqueue_indirect_dma source(%dma_start3A_35 : memref<10000x16xf32, #tpu.memory_space<hbm>>) target(%dma_start3A_29 : memref<80x16xf32, #tpu.memory_space<vmem>>) offsets(%dma_start3A_32 : memref<80xi32, #tpu.memory_space<vmem>>) semaphore(%arg7 : memref<!tpu.dma_semaphore, #tpu.memory_space<semaphore_mem>>)
      %add3A_36 = arith.constant 2 : i32
      %add3A_37 = arith.addi %mul3A_10, %add3A_36 : i32
      %dma_start3A_38 = arith.constant 2 : i32
      %dma_start3A_39 = arith.constant 0 : i32
      %dma_start3A_40 = arith.constant 0 : i32
      %dma_start3A_41 = tpu.memref_slice %arg6[%dma_start3A_38, %dma_start3A_39, %dma_start3A_40] : memref<5x80x16xf32, #tpu.memory_space<vmem>> -> memref<1x80x16xf32, #tpu.memory_space<vmem>>
      %dma_start3A_42 = tpu.memref_squeeze %dma_start3A_41 : memref<1x80x16xf32, #tpu.memory_space<vmem>> -> memref<80x16xf32, #tpu.memory_space<vmem>>
      %dma_start3A_43 = arith.constant 0 : i32
      %dma_start3A_44 = tpu.memref_slice %arg5[%add3A_37, %dma_start3A_43] : memref<125x80xi32, #tpu.memory_space<vmem>> -> memref<1x80xi32, #tpu.memory_space<vmem>>
      %dma_start3A_45 = tpu.memref_squeeze %dma_start3A_44 : memref<1x80xi32, #tpu.memory_space<vmem>> -> memref<80xi32, #tpu.memory_space<vmem>>
      %dma_start3A_46 = arith.constant 0 : i32
      %dma_start3A_47 = arith.constant 0 : i32
      %dma_start3A_48 = tpu.memref_slice %arg2[%dma_start3A_46, %dma_start3A_47] : memref<10000x16xf32, #tpu.memory_space<hbm>> -> memref<10000x16xf32, #tpu.memory_space<hbm>>
      tpu.enqueue_indirect_dma source(%dma_start3A_48 : memref<10000x16xf32, #tpu.memory_space<hbm>>) target(%dma_start3A_42 : memref<80x16xf32, #tpu.memory_space<vmem>>) offsets(%dma_start3A_45 : memref<80xi32, #tpu.memory_space<vmem>>) semaphore(%arg7 : memref<!tpu.dma_semaphore, #tpu.memory_space<semaphore_mem>>)
      %add3A_49 = arith.constant 3 : i32
      %add3A_50 = arith.addi %mul3A_10, %add3A_49 : i32
      %dma_start3A_51 = arith.constant 3 : i32
      %dma_start3A_52 = arith.constant 0 : i32
      %dma_start3A_53 = arith.constant 0 : i32
      %dma_start3A_54 = tpu.memref_slice %arg6[%dma_start3A_51, %dma_start3A_52, %dma_start3A_53] : memref<5x80x16xf32, #tpu.memory_space<vmem>> -> memref<1x80x16xf32, #tpu.memory_space<vmem>>
      %dma_start3A_55 = tpu.memref_squeeze %dma_start3A_54 : memref<1x80x16xf32, #tpu.memory_space<vmem>> -> memref<80x16xf32, #tpu.memory_space<vmem>>
      %dma_start3A_56 = arith.constant 0 : i32
      %dma_start3A_57 = tpu.memref_slice %arg5[%add3A_50, %dma_start3A_56] : memref<125x80xi32, #tpu.memory_space<vmem>> -> memref<1x80xi32, #tpu.memory_space<vmem>>
      %dma_start3A_58 = tpu.memref_squeeze %dma_start3A_57 : memref<1x80xi32, #tpu.memory_space<vmem>> -> memref<80xi32, #tpu.memory_space<vmem>>
      %dma_start3A_59 = arith.constant 0 : i32
      %dma_start3A_60 = arith.constant 0 : i32
      %dma_start3A_61 = tpu.memref_slice %arg2[%dma_start3A_59, %dma_start3A_60] : memref<10000x16xf32, #tpu.memory_space<hbm>> -> memref<10000x16xf32, #tpu.memory_space<hbm>>
      tpu.enqueue_indirect_dma source(%dma_start3A_61 : memref<10000x16xf32, #tpu.memory_space<hbm>>) target(%dma_start3A_55 : memref<80x16xf32, #tpu.memory_space<vmem>>) offsets(%dma_start3A_58 : memref<80xi32, #tpu.memory_space<vmem>>) semaphore(%arg7 : memref<!tpu.dma_semaphore, #tpu.memory_space<semaphore_mem>>)
      %add3A_62 = arith.constant 4 : i32
      %add3A_63 = arith.addi %mul3A_10, %add3A_62 : i32
      %dma_start3A_64 = arith.constant 4 : i32
      %dma_start3A_65 = arith.constant 0 : i32
      %dma_start3A_66 = arith.constant 0 : i32
      %dma_start3A_67 = tpu.memref_slice %arg6[%dma_start3A_64, %dma_start3A_65, %dma_start3A_66] : memref<5x80x16xf32, #tpu.memory_space<vmem>> -> memref<1x80x16xf32, #tpu.memory_space<vmem>>
      %dma_start3A_68 = tpu.memref_squeeze %dma_start3A_67 : memref<1x80x16xf32, #tpu.memory_space<vmem>> -> memref<80x16xf32, #tpu.memory_space<vmem>>
      %dma_start3A_69 = arith.constant 0 : i32
      %dma_start3A_70 = tpu.memref_slice %arg5[%add3A_63, %dma_start3A_69] : memref<125x80xi32, #tpu.memory_space<vmem>> -> memref<1x80xi32, #tpu.memory_space<vmem>>
      %dma_start3A_71 = tpu.memref_squeeze %dma_start3A_70 : memref<1x80xi32, #tpu.memory_space<vmem>> -> memref<80xi32, #tpu.memory_space<vmem>>
      %dma_start3A_72 = arith.constant 0 : i32
      %dma_start3A_73 = arith.constant 0 : i32
      %dma_start3A_74 = tpu.memref_slice %arg2[%dma_start3A_72, %dma_start3A_73] : memref<10000x16xf32, #tpu.memory_space<hbm>> -> memref<10000x16xf32, #tpu.memory_space<hbm>>
      tpu.enqueue_indirect_dma source(%dma_start3A_74 : memref<10000x16xf32, #tpu.memory_space<hbm>>) target(%dma_start3A_68 : memref<80x16xf32, #tpu.memory_space<vmem>>) offsets(%dma_start3A_71 : memref<80xi32, #tpu.memory_space<vmem>>) semaphore(%arg7 : memref<!tpu.dma_semaphore, #tpu.memory_space<semaphore_mem>>)
      %dma_wait3A = arith.constant 0 : i32
      %dma_wait3A_75 = arith.constant 0 : i32
      %dma_wait3A_76 = arith.constant 0 : i32
      %dma_wait3A_77 = tpu.memref_slice %arg6[%dma_wait3A, %dma_wait3A_75, %dma_wait3A_76] : memref<5x80x16xf32, #tpu.memory_space<vmem>> -> memref<1x80x16xf32, #tpu.memory_space<vmem>>
      %dma_wait3A_78 = tpu.memref_squeeze %dma_wait3A_77 : memref<1x80x16xf32, #tpu.memory_space<vmem>> -> memref<80x16xf32, #tpu.memory_space<vmem>>
      %dma_wait3A_79 = arith.constant 0 : i32
      %dma_wait3A_80 = tpu.memref_slice %arg5[%add3A_12, %dma_wait3A_79] : memref<125x80xi32, #tpu.memory_space<vmem>> -> memref<1x80xi32, #tpu.memory_space<vmem>>
      %dma_wait3A_81 = tpu.memref_squeeze %dma_wait3A_80 : memref<1x80xi32, #tpu.memory_space<vmem>> -> memref<80xi32, #tpu.memory_space<vmem>>
      %dma_wait3A_82 = arith.constant 0 : i32
      %dma_wait3A_83 = arith.constant 0 : i32
      %dma_wait3A_84 = tpu.memref_slice %arg2[%dma_wait3A_82, %dma_wait3A_83] : memref<10000x16xf32, #tpu.memory_space<hbm>> -> memref<10000x16xf32, #tpu.memory_space<hbm>>
      tpu.wait_indirect_dma semaphore(%arg7 : memref<!tpu.dma_semaphore, #tpu.memory_space<semaphore_mem>>) src(%dma_wait3A_84 : memref<10000x16xf32, #tpu.memory_space<hbm>>) dst(%dma_wait3A_78 : memref<80x16xf32, #tpu.memory_space<vmem>>)
      %dma_wait3A_85 = arith.constant 1 : i32
      %dma_wait3A_86 = arith.constant 0 : i32
      %dma_wait3A_87 = arith.constant 0 : i32
      %dma_wait3A_88 = tpu.memref_slice %arg6[%dma_wait3A_85, %dma_wait3A_86, %dma_wait3A_87] : memref<5x80x16xf32, #tpu.memory_space<vmem>> -> memref<1x80x16xf32, #tpu.memory_space<vmem>>
      %dma_wait3A_89 = tpu.memref_squeeze %dma_wait3A_88 : memref<1x80x16xf32, #tpu.memory_space<vmem>> -> memref<80x16xf32, #tpu.memory_space<vmem>>
      %dma_wait3A_90 = arith.constant 0 : i32
      %dma_wait3A_91 = tpu.memref_slice %arg5[%add3A_24, %dma_wait3A_90] : memref<125x80xi32, #tpu.memory_space<vmem>> -> memref<1x80xi32, #tpu.memory_space<vmem>>
      %dma_wait3A_92 = tpu.memref_squeeze %dma_wait3A_91 : memref<1x80xi32, #tpu.memory_space<vmem>> -> memref<80xi32, #tpu.memory_space<vmem>>
      %dma_wait3A_93 = arith.constant 0 : i32
      %dma_wait3A_94 = arith.constant 0 : i32
      %dma_wait3A_95 = tpu.memref_slice %arg2[%dma_wait3A_93, %dma_wait3A_94] : memref<10000x16xf32, #tpu.memory_space<hbm>> -> memref<10000x16xf32, #tpu.memory_space<hbm>>
      tpu.wait_indirect_dma semaphore(%arg7 : memref<!tpu.dma_semaphore, #tpu.memory_space<semaphore_mem>>) src(%dma_wait3A_95 : memref<10000x16xf32, #tpu.memory_space<hbm>>) dst(%dma_wait3A_89 : memref<80x16xf32, #tpu.memory_space<vmem>>)
      %dma_wait3A_96 = arith.constant 2 : i32
      %dma_wait3A_97 = arith.constant 0 : i32
      %dma_wait3A_98 = arith.constant 0 : i32
      %dma_wait3A_99 = tpu.memref_slice %arg6[%dma_wait3A_96, %dma_wait3A_97, %dma_wait3A_98] : memref<5x80x16xf32, #tpu.memory_space<vmem>> -> memref<1x80x16xf32, #tpu.memory_space<vmem>>
      %dma_wait3A_100 = tpu.memref_squeeze %dma_wait3A_99 : memref<1x80x16xf32, #tpu.memory_space<vmem>> -> memref<80x16xf32, #tpu.memory_space<vmem>>
      %dma_wait3A_101 = arith.constant 0 : i32
      %dma_wait3A_102 = tpu.memref_slice %arg5[%add3A_37, %dma_wait3A_101] : memref<125x80xi32, #tpu.memory_space<vmem>> -> memref<1x80xi32, #tpu.memory_space<vmem>>
      %dma_wait3A_103 = tpu.memref_squeeze %dma_wait3A_102 : memref<1x80xi32, #tpu.memory_space<vmem>> -> memref<80xi32, #tpu.memory_space<vmem>>
      %dma_wait3A_104 = arith.constant 0 : i32
      %dma_wait3A_105 = arith.constant 0 : i32
      %dma_wait3A_106 = tpu.memref_slice %arg2[%dma_wait3A_104, %dma_wait3A_105] : memref<10000x16xf32, #tpu.memory_space<hbm>> -> memref<10000x16xf32, #tpu.memory_space<hbm>>
      tpu.wait_indirect_dma semaphore(%arg7 : memref<!tpu.dma_semaphore, #tpu.memory_space<semaphore_mem>>) src(%dma_wait3A_106 : memref<10000x16xf32, #tpu.memory_space<hbm>>) dst(%dma_wait3A_100 : memref<80x16xf32, #tpu.memory_space<vmem>>)
      %dma_wait3A_107 = arith.constant 3 : i32
      %dma_wait3A_108 = arith.constant 0 : i32
      %dma_wait3A_109 = arith.constant 0 : i32
      %dma_wait3A_110 = tpu.memref_slice %arg6[%dma_wait3A_107, %dma_wait3A_108, %dma_wait3A_109] : memref<5x80x16xf32, #tpu.memory_space<vmem>> -> memref<1x80x16xf32, #tpu.memory_space<vmem>>
      %dma_wait3A_111 = tpu.memref_squeeze %dma_wait3A_110 : memref<1x80x16xf32, #tpu.memory_space<vmem>> -> memref<80x16xf32, #tpu.memory_space<vmem>>
      %dma_wait3A_112 = arith.constant 0 : i32
      %dma_wait3A_113 = tpu.memref_slice %arg5[%add3A_50, %dma_wait3A_112] : memref<125x80xi32, #tpu.memory_space<vmem>> -> memref<1x80xi32, #tpu.memory_space<vmem>>
      %dma_wait3A_114 = tpu.memref_squeeze %dma_wait3A_113 : memref<1x80xi32, #tpu.memory_space<vmem>> -> memref<80xi32, #tpu.memory_space<vmem>>
      %dma_wait3A_115 = arith.constant 0 : i32
      %dma_wait3A_116 = arith.constant 0 : i32
      %dma_wait3A_117 = tpu.memref_slice %arg2[%dma_wait3A_115, %dma_wait3A_116] : memref<10000x16xf32, #tpu.memory_space<hbm>> -> memref<10000x16xf32, #tpu.memory_space<hbm>>
      tpu.wait_indirect_dma semaphore(%arg7 : memref<!tpu.dma_semaphore, #tpu.memory_space<semaphore_mem>>) src(%dma_wait3A_117 : memref<10000x16xf32, #tpu.memory_space<hbm>>) dst(%dma_wait3A_111 : memref<80x16xf32, #tpu.memory_space<vmem>>)
      %dma_wait3A_118 = arith.constant 4 : i32
      %dma_wait3A_119 = arith.constant 0 : i32
      %dma_wait3A_120 = arith.constant 0 : i32
      %dma_wait3A_121 = tpu.memref_slice %arg6[%dma_wait3A_118, %dma_wait3A_119, %dma_wait3A_120] : memref<5x80x16xf32, #tpu.memory_space<vmem>> -> memref<1x80x16xf32, #tpu.memory_space<vmem>>
      %dma_wait3A_122 = tpu.memref_squeeze %dma_wait3A_121 : memref<1x80x16xf32, #tpu.memory_space<vmem>> -> memref<80x16xf32, #tpu.memory_space<vmem>>
      %dma_wait3A_123 = arith.constant 0 : i32
      %dma_wait3A_124 = tpu.memref_slice %arg5[%add3A_63, %dma_wait3A_123] : memref<125x80xi32, #tpu.memory_space<vmem>> -> memref<1x80xi32, #tpu.memory_space<vmem>>
      %dma_wait3A_125 = tpu.memref_squeeze %dma_wait3A_124 : memref<1x80xi32, #tpu.memory_space<vmem>> -> memref<80xi32, #tpu.memory_space<vmem>>
      %dma_wait3A_126 = arith.constant 0 : i32
      %dma_wait3A_127 = arith.constant 0 : i32
      %dma_wait3A_128 = tpu.memref_slice %arg2[%dma_wait3A_126, %dma_wait3A_127] : memref<10000x16xf32, #tpu.memory_space<hbm>> -> memref<10000x16xf32, #tpu.memory_space<hbm>>
      tpu.wait_indirect_dma semaphore(%arg7 : memref<!tpu.dma_semaphore, #tpu.memory_space<semaphore_mem>>) src(%dma_wait3A_128 : memref<10000x16xf32, #tpu.memory_space<hbm>>) dst(%dma_wait3A_122 : memref<80x16xf32, #tpu.memory_space<vmem>>)
      %add3A_129 = arith.constant 0 : i32
      %add3A_130 = arith.addi %mul3A_10, %add3A_129 : i32
      %mul3A_131 = arith.constant 80 : i32
      %mul3A_132 = arith.muli %add3A_130, %mul3A_131 : i32
      %add3A_133 = arith.addi %mul3A_2, %mul3A_132 : i32
      %dma_start3A_134 = arith.constant 0 : i32
      %dma_start3A_135 = arith.constant 0 : i32
      %dma_start3A_136 = arith.constant 0 : i32
      %dma_start3A_137 = tpu.memref_slice %arg6[%dma_start3A_134, %dma_start3A_135, %dma_start3A_136] : memref<5x80x16xf32, #tpu.memory_space<vmem>> -> memref<1x80x16xf32, #tpu.memory_space<vmem>>
      %dma_start3A_138 = tpu.memref_squeeze %dma_start3A_137 : memref<1x80x16xf32, #tpu.memory_space<vmem>> -> memref<80x16xf32, #tpu.memory_space<vmem>>
      %dma_start3A_139 = arith.constant 0 : i32
      %dma_start3A_140 = tpu.memref_slice %arg4[%add3A_133, %dma_start3A_139] : memref<320000x16xf32, #tpu.memory_space<hbm>> -> memref<80x16xf32, #tpu.memory_space<hbm>>
      %dma_start3A_141 = arith.constant 0 : i32
      %dma_start3A_142 = tpu.memref_slice %arg4[%add3A_133, %dma_start3A_141] : memref<320000x16xf32, #tpu.memory_space<hbm>> -> memref<80x16xf32, #tpu.memory_space<hbm>>
      %dma_start3A_143 = arith.constant 0 : i32
      %dma_start3A_144 = arith.constant 0 : i32
      %dma_start3A_145 = tpu.memref_slice %arg6[%dma_start3A_134, %dma_start3A_143, %dma_start3A_144] : memref<5x80x16xf32, #tpu.memory_space<vmem>> -> memref<1x80x16xf32, #tpu.memory_space<vmem>>
      %dma_start3A_146 = tpu.memref_squeeze %dma_start3A_145 : memref<1x80x16xf32, #tpu.memory_space<vmem>> -> memref<80x16xf32, #tpu.memory_space<vmem>>
      tpu.enqueue_dma source(%dma_start3A_146 : memref<80x16xf32, #tpu.memory_space<vmem>>) target(%dma_start3A_142 : memref<80x16xf32, #tpu.memory_space<hbm>>) target_semaphore(%arg8 : memref<!tpu.dma_semaphore, #tpu.memory_space<semaphore_mem>>)
      %add3A_147 = arith.constant 1 : i32
      %add3A_148 = arith.addi %mul3A_10, %add3A_147 : i32
      %mul3A_149 = arith.constant 80 : i32
      %mul3A_150 = arith.muli %add3A_148, %mul3A_149 : i32
      %add3A_151 = arith.addi %mul3A_2, %mul3A_150 : i32
      %dma_start3A_152 = arith.constant 1 : i32
      %dma_start3A_153 = arith.constant 0 : i32
      %dma_start3A_154 = arith.constant 0 : i32
      %dma_start3A_155 = tpu.memref_slice %arg6[%dma_start3A_152, %dma_start3A_153, %dma_start3A_154] : memref<5x80x16xf32, #tpu.memory_space<vmem>> -> memref<1x80x16xf32, #tpu.memory_space<vmem>>
      %dma_start3A_156 = tpu.memref_squeeze %dma_start3A_155 : memref<1x80x16xf32, #tpu.memory_space<vmem>> -> memref<80x16xf32, #tpu.memory_space<vmem>>
      %dma_start3A_157 = arith.constant 0 : i32
      %dma_start3A_158 = tpu.memref_slice %arg4[%add3A_151, %dma_start3A_157] : memref<320000x16xf32, #tpu.memory_space<hbm>> -> memref<80x16xf32, #tpu.memory_space<hbm>>
      %dma_start3A_159 = arith.constant 0 : i32
      %dma_start3A_160 = tpu.memref_slice %arg4[%add3A_151, %dma_start3A_159] : memref<320000x16xf32, #tpu.memory_space<hbm>> -> memref<80x16xf32, #tpu.memory_space<hbm>>
      %dma_start3A_161 = arith.constant 0 : i32
      %dma_start3A_162 = arith.constant 0 : i32
      %dma_start3A_163 = tpu.memref_slice %arg6[%dma_start3A_152, %dma_start3A_161, %dma_start3A_162] : memref<5x80x16xf32, #tpu.memory_space<vmem>> -> memref<1x80x16xf32, #tpu.memory_space<vmem>>
      %dma_start3A_164 = tpu.memref_squeeze %dma_start3A_163 : memref<1x80x16xf32, #tpu.memory_space<vmem>> -> memref<80x16xf32, #tpu.memory_space<vmem>>
      tpu.enqueue_dma source(%dma_start3A_164 : memref<80x16xf32, #tpu.memory_space<vmem>>) target(%dma_start3A_160 : memref<80x16xf32, #tpu.memory_space<hbm>>) target_semaphore(%arg8 : memref<!tpu.dma_semaphore, #tpu.memory_space<semaphore_mem>>)
      %add3A_165 = arith.constant 2 : i32
      %add3A_166 = arith.addi %mul3A_10, %add3A_165 : i32
      %mul3A_167 = arith.constant 80 : i32
      %mul3A_168 = arith.muli %add3A_166, %mul3A_167 : i32
      %add3A_169 = arith.addi %mul3A_2, %mul3A_168 : i32
      %dma_start3A_170 = arith.constant 2 : i32
      %dma_start3A_171 = arith.constant 0 : i32
      %dma_start3A_172 = arith.constant 0 : i32
      %dma_start3A_173 = tpu.memref_slice %arg6[%dma_start3A_170, %dma_start3A_171, %dma_start3A_172] : memref<5x80x16xf32, #tpu.memory_space<vmem>> -> memref<1x80x16xf32, #tpu.memory_space<vmem>>
      %dma_start3A_174 = tpu.memref_squeeze %dma_start3A_173 : memref<1x80x16xf32, #tpu.memory_space<vmem>> -> memref<80x16xf32, #tpu.memory_space<vmem>>
      %dma_start3A_175 = arith.constant 0 : i32
      %dma_start3A_176 = tpu.memref_slice %arg4[%add3A_169, %dma_start3A_175] : memref<320000x16xf32, #tpu.memory_space<hbm>> -> memref<80x16xf32, #tpu.memory_space<hbm>>
      %dma_start3A_177 = arith.constant 0 : i32
      %dma_start3A_178 = tpu.memref_slice %arg4[%add3A_169, %dma_start3A_177] : memref<320000x16xf32, #tpu.memory_space<hbm>> -> memref<80x16xf32, #tpu.memory_space<hbm>>
      %dma_start3A_179 = arith.constant 0 : i32
      %dma_start3A_180 = arith.constant 0 : i32
      %dma_start3A_181 = tpu.memref_slice %arg6[%dma_start3A_170, %dma_start3A_179, %dma_start3A_180] : memref<5x80x16xf32, #tpu.memory_space<vmem>> -> memref<1x80x16xf32, #tpu.memory_space<vmem>>
      %dma_start3A_182 = tpu.memref_squeeze %dma_start3A_181 : memref<1x80x16xf32, #tpu.memory_space<vmem>> -> memref<80x16xf32, #tpu.memory_space<vmem>>
      tpu.enqueue_dma source(%dma_start3A_182 : memref<80x16xf32, #tpu.memory_space<vmem>>) target(%dma_start3A_178 : memref<80x16xf32, #tpu.memory_space<hbm>>) target_semaphore(%arg8 : memref<!tpu.dma_semaphore, #tpu.memory_space<semaphore_mem>>)
      %add3A_183 = arith.constant 3 : i32
      %add3A_184 = arith.addi %mul3A_10, %add3A_183 : i32
      %mul3A_185 = arith.constant 80 : i32
      %mul3A_186 = arith.muli %add3A_184, %mul3A_185 : i32
      %add3A_187 = arith.addi %mul3A_2, %mul3A_186 : i32
      %dma_start3A_188 = arith.constant 3 : i32
      %dma_start3A_189 = arith.constant 0 : i32
      %dma_start3A_190 = arith.constant 0 : i32
      %dma_start3A_191 = tpu.memref_slice %arg6[%dma_start3A_188, %dma_start3A_189, %dma_start3A_190] : memref<5x80x16xf32, #tpu.memory_space<vmem>> -> memref<1x80x16xf32, #tpu.memory_space<vmem>>
      %dma_start3A_192 = tpu.memref_squeeze %dma_start3A_191 : memref<1x80x16xf32, #tpu.memory_space<vmem>> -> memref<80x16xf32, #tpu.memory_space<vmem>>
      %dma_start3A_193 = arith.constant 0 : i32
      %dma_start3A_194 = tpu.memref_slice %arg4[%add3A_187, %dma_start3A_193] : memref<320000x16xf32, #tpu.memory_space<hbm>> -> memref<80x16xf32, #tpu.memory_space<hbm>>
      %dma_start3A_195 = arith.constant 0 : i32
      %dma_start3A_196 = tpu.memref_slice %arg4[%add3A_187, %dma_start3A_195] : memref<320000x16xf32, #tpu.memory_space<hbm>> -> memref<80x16xf32, #tpu.memory_space<hbm>>
      %dma_start3A_197 = arith.constant 0 : i32
      %dma_start3A_198 = arith.constant 0 : i32
      %dma_start3A_199 = tpu.memref_slice %arg6[%dma_start3A_188, %dma_start3A_197, %dma_start3A_198] : memref<5x80x16xf32, #tpu.memory_space<vmem>> -> memref<1x80x16xf32, #tpu.memory_space<vmem>>
      %dma_start3A_200 = tpu.memref_squeeze %dma_start3A_199 : memref<1x80x16xf32, #tpu.memory_space<vmem>> -> memref<80x16xf32, #tpu.memory_space<vmem>>
      tpu.enqueue_dma source(%dma_start3A_200 : memref<80x16xf32, #tpu.memory_space<vmem>>) target(%dma_start3A_196 : memref<80x16xf32, #tpu.memory_space<hbm>>) target_semaphore(%arg8 : memref<!tpu.dma_semaphore, #tpu.memory_space<semaphore_mem>>)
      %add3A_201 = arith.constant 4 : i32
      %add3A_202 = arith.addi %mul3A_10, %add3A_201 : i32
      %mul3A_203 = arith.constant 80 : i32
      %mul3A_204 = arith.muli %add3A_202, %mul3A_203 : i32
      %add3A_205 = arith.addi %mul3A_2, %mul3A_204 : i32
      %dma_start3A_206 = arith.constant 4 : i32
      %dma_start3A_207 = arith.constant 0 : i32
      %dma_start3A_208 = arith.constant 0 : i32
      %dma_start3A_209 = tpu.memref_slice %arg6[%dma_start3A_206, %dma_start3A_207, %dma_start3A_208] : memref<5x80x16xf32, #tpu.memory_space<vmem>> -> memref<1x80x16xf32, #tpu.memory_space<vmem>>
      %dma_start3A_210 = tpu.memref_squeeze %dma_start3A_209 : memref<1x80x16xf32, #tpu.memory_space<vmem>> -> memref<80x16xf32, #tpu.memory_space<vmem>>
      %dma_start3A_211 = arith.constant 0 : i32
      %dma_start3A_212 = tpu.memref_slice %arg4[%add3A_205, %dma_start3A_211] : memref<320000x16xf32, #tpu.memory_space<hbm>> -> memref<80x16xf32, #tpu.memory_space<hbm>>
      %dma_start3A_213 = arith.constant 0 : i32
      %dma_start3A_214 = tpu.memref_slice %arg4[%add3A_205, %dma_start3A_213] : memref<320000x16xf32, #tpu.memory_space<hbm>> -> memref<80x16xf32, #tpu.memory_space<hbm>>
      %dma_start3A_215 = arith.constant 0 : i32
      %dma_start3A_216 = arith.constant 0 : i32
      %dma_start3A_217 = tpu.memref_slice %arg6[%dma_start3A_206, %dma_start3A_215, %dma_start3A_216] : memref<5x80x16xf32, #tpu.memory_space<vmem>> -> memref<1x80x16xf32, #tpu.memory_space<vmem>>
      %dma_start3A_218 = tpu.memref_squeeze %dma_start3A_217 : memref<1x80x16xf32, #tpu.memory_space<vmem>> -> memref<80x16xf32, #tpu.memory_space<vmem>>
      tpu.enqueue_dma source(%dma_start3A_218 : memref<80x16xf32, #tpu.memory_space<vmem>>) target(%dma_start3A_214 : memref<80x16xf32, #tpu.memory_space<hbm>>) target_semaphore(%arg8 : memref<!tpu.dma_semaphore, #tpu.memory_space<semaphore_mem>>)
      %dma_wait3A_219 = arith.constant 0 : i32
      %dma_wait3A_220 = arith.constant 0 : i32
      %dma_wait3A_221 = arith.constant 0 : i32
      %dma_wait3A_222 = tpu.memref_slice %arg6[%dma_wait3A_219, %dma_wait3A_220, %dma_wait3A_221] : memref<5x80x16xf32, #tpu.memory_space<vmem>> -> memref<1x80x16xf32, #tpu.memory_space<vmem>>
      %dma_wait3A_223 = tpu.memref_squeeze %dma_wait3A_222 : memref<1x80x16xf32, #tpu.memory_space<vmem>> -> memref<80x16xf32, #tpu.memory_space<vmem>>
      %dma_wait3A_224 = arith.constant 0 : i32
      %dma_wait3A_225 = tpu.memref_slice %arg4[%add3A_133, %dma_wait3A_224] : memref<320000x16xf32, #tpu.memory_space<hbm>> -> memref<80x16xf32, #tpu.memory_space<hbm>>
      %dma_wait3A_226 = arith.constant 0 : i32
      %dma_wait3A_227 = tpu.memref_slice %arg4[%add3A_133, %dma_wait3A_226] : memref<320000x16xf32, #tpu.memory_space<hbm>> -> memref<80x16xf32, #tpu.memory_space<hbm>>
      %dma_wait3A_228 = arith.constant 0 : i32
      %dma_wait3A_229 = arith.constant 0 : i32
      %dma_wait3A_230 = tpu.memref_slice %arg6[%dma_wait3A_219, %dma_wait3A_228, %dma_wait3A_229] : memref<5x80x16xf32, #tpu.memory_space<vmem>> -> memref<1x80x16xf32, #tpu.memory_space<vmem>>
      %dma_wait3A_231 = tpu.memref_squeeze %dma_wait3A_230 : memref<1x80x16xf32, #tpu.memory_space<vmem>> -> memref<80x16xf32, #tpu.memory_space<vmem>>
      tpu.wait_dma2 semaphore(%arg8 : memref<!tpu.dma_semaphore, #tpu.memory_space<semaphore_mem>>) src(%dma_wait3A_231 : memref<80x16xf32, #tpu.memory_space<vmem>>) dst(%dma_wait3A_227 : memref<80x16xf32, #tpu.memory_space<hbm>>)
      %dma_wait3A_232 = arith.constant 1 : i32
      %dma_wait3A_233 = arith.constant 0 : i32
      %dma_wait3A_234 = arith.constant 0 : i32
      %dma_wait3A_235 = tpu.memref_slice %arg6[%dma_wait3A_232, %dma_wait3A_233, %dma_wait3A_234] : memref<5x80x16xf32, #tpu.memory_space<vmem>> -> memref<1x80x16xf32, #tpu.memory_space<vmem>>
      %dma_wait3A_236 = tpu.memref_squeeze %dma_wait3A_235 : memref<1x80x16xf32, #tpu.memory_space<vmem>> -> memref<80x16xf32, #tpu.memory_space<vmem>>
      %dma_wait3A_237 = arith.constant 0 : i32
      %dma_wait3A_238 = tpu.memref_slice %arg4[%add3A_151, %dma_wait3A_237] : memref<320000x16xf32, #tpu.memory_space<hbm>> -> memref<80x16xf32, #tpu.memory_space<hbm>>
      %dma_wait3A_239 = arith.constant 0 : i32
      %dma_wait3A_240 = tpu.memref_slice %arg4[%add3A_151, %dma_wait3A_239] : memref<320000x16xf32, #tpu.memory_space<hbm>> -> memref<80x16xf32, #tpu.memory_space<hbm>>
      %dma_wait3A_241 = arith.constant 0 : i32
      %dma_wait3A_242 = arith.constant 0 : i32
      %dma_wait3A_243 = tpu.memref_slice %arg6[%dma_wait3A_232, %dma_wait3A_241, %dma_wait3A_242] : memref<5x80x16xf32, #tpu.memory_space<vmem>> -> memref<1x80x16xf32, #tpu.memory_space<vmem>>
      %dma_wait3A_244 = tpu.memref_squeeze %dma_wait3A_243 : memref<1x80x16xf32, #tpu.memory_space<vmem>> -> memref<80x16xf32, #tpu.memory_space<vmem>>
      tpu.wait_dma2 semaphore(%arg8 : memref<!tpu.dma_semaphore, #tpu.memory_space<semaphore_mem>>) src(%dma_wait3A_244 : memref<80x16xf32, #tpu.memory_space<vmem>>) dst(%dma_wait3A_240 : memref<80x16xf32, #tpu.memory_space<hbm>>)
      %dma_wait3A_245 = arith.constant 2 : i32
      %dma_wait3A_246 = arith.constant 0 : i32
      %dma_wait3A_247 = arith.constant 0 : i32
      %dma_wait3A_248 = tpu.memref_slice %arg6[%dma_wait3A_245, %dma_wait3A_246, %dma_wait3A_247] : memref<5x80x16xf32, #tpu.memory_space<vmem>> -> memref<1x80x16xf32, #tpu.memory_space<vmem>>
      %dma_wait3A_249 = tpu.memref_squeeze %dma_wait3A_248 : memref<1x80x16xf32, #tpu.memory_space<vmem>> -> memref<80x16xf32, #tpu.memory_space<vmem>>
      %dma_wait3A_250 = arith.constant 0 : i32
      %dma_wait3A_251 = tpu.memref_slice %arg4[%add3A_169, %dma_wait3A_250] : memref<320000x16xf32, #tpu.memory_space<hbm>> -> memref<80x16xf32, #tpu.memory_space<hbm>>
      %dma_wait3A_252 = arith.constant 0 : i32
      %dma_wait3A_253 = tpu.memref_slice %arg4[%add3A_169, %dma_wait3A_252] : memref<320000x16xf32, #tpu.memory_space<hbm>> -> memref<80x16xf32, #tpu.memory_space<hbm>>
      %dma_wait3A_254 = arith.constant 0 : i32
      %dma_wait3A_255 = arith.constant 0 : i32
      %dma_wait3A_256 = tpu.memref_slice %arg6[%dma_wait3A_245, %dma_wait3A_254, %dma_wait3A_255] : memref<5x80x16xf32, #tpu.memory_space<vmem>> -> memref<1x80x16xf32, #tpu.memory_space<vmem>>
      %dma_wait3A_257 = tpu.memref_squeeze %dma_wait3A_256 : memref<1x80x16xf32, #tpu.memory_space<vmem>> -> memref<80x16xf32, #tpu.memory_space<vmem>>
      tpu.wait_dma2 semaphore(%arg8 : memref<!tpu.dma_semaphore, #tpu.memory_space<semaphore_mem>>) src(%dma_wait3A_257 : memref<80x16xf32, #tpu.memory_space<vmem>>) dst(%dma_wait3A_253 : memref<80x16xf32, #tpu.memory_space<hbm>>)
      %dma_wait3A_258 = arith.constant 3 : i32
      %dma_wait3A_259 = arith.constant 0 : i32
      %dma_wait3A_260 = arith.constant 0 : i32
      %dma_wait3A_261 = tpu.memref_slice %arg6[%dma_wait3A_258, %dma_wait3A_259, %dma_wait3A_260] : memref<5x80x16xf32, #tpu.memory_space<vmem>> -> memref<1x80x16xf32, #tpu.memory_space<vmem>>
      %dma_wait3A_262 = tpu.memref_squeeze %dma_wait3A_261 : memref<1x80x16xf32, #tpu.memory_space<vmem>> -> memref<80x16xf32, #tpu.memory_space<vmem>>
      %dma_wait3A_263 = arith.constant 0 : i32
      %dma_wait3A_264 = tpu.memref_slice %arg4[%add3A_187, %dma_wait3A_263] : memref<320000x16xf32, #tpu.memory_space<hbm>> -> memref<80x16xf32, #tpu.memory_space<hbm>>
      %dma_wait3A_265 = arith.constant 0 : i32
      %dma_wait3A_266 = tpu.memref_slice %arg4[%add3A_187, %dma_wait3A_265] : memref<320000x16xf32, #tpu.memory_space<hbm>> -> memref<80x16xf32, #tpu.memory_space<hbm>>
      %dma_wait3A_267 = arith.constant 0 : i32
      %dma_wait3A_268 = arith.constant 0 : i32
      %dma_wait3A_269 = tpu.memref_slice %arg6[%dma_wait3A_258, %dma_wait3A_267, %dma_wait3A_268] : memref<5x80x16xf32, #tpu.memory_space<vmem>> -> memref<1x80x16xf32, #tpu.memory_space<vmem>>
      %dma_wait3A_270 = tpu.memref_squeeze %dma_wait3A_269 : memref<1x80x16xf32, #tpu.memory_space<vmem>> -> memref<80x16xf32, #tpu.memory_space<vmem>>
      tpu.wait_dma2 semaphore(%arg8 : memref<!tpu.dma_semaphore, #tpu.memory_space<semaphore_mem>>) src(%dma_wait3A_270 : memref<80x16xf32, #tpu.memory_space<vmem>>) dst(%dma_wait3A_266 : memref<80x16xf32, #tpu.memory_space<hbm>>)
      %dma_wait3A_271 = arith.constant 4 : i32
      %dma_wait3A_272 = arith.constant 0 : i32
      %dma_wait3A_273 = arith.constant 0 : i32
      %dma_wait3A_274 = tpu.memref_slice %arg6[%dma_wait3A_271, %dma_wait3A_272, %dma_wait3A_273] : memref<5x80x16xf32, #tpu.memory_space<vmem>> -> memref<1x80x16xf32, #tpu.memory_space<vmem>>
      %dma_wait3A_275 = tpu.memref_squeeze %dma_wait3A_274 : memref<1x80x16xf32, #tpu.memory_space<vmem>> -> memref<80x16xf32, #tpu.memory_space<vmem>>
      %dma_wait3A_276 = arith.constant 0 : i32
      %dma_wait3A_277 = tpu.memref_slice %arg4[%add3A_205, %dma_wait3A_276] : memref<320000x16xf32, #tpu.memory_space<hbm>> -> memref<80x16xf32, #tpu.memory_space<hbm>>
      %dma_wait3A_278 = arith.constant 0 : i32
      %dma_wait3A_279 = tpu.memref_slice %arg4[%add3A_205, %dma_wait3A_278] : memref<320000x16xf32, #tpu.memory_space<hbm>> -> memref<80x16xf32, #tpu.memory_space<hbm>>
      %dma_wait3A_280 = arith.constant 0 : i32
      %dma_wait3A_281 = arith.constant 0 : i32
      %dma_wait3A_282 = tpu.memref_slice %arg6[%dma_wait3A_271, %dma_wait3A_280, %dma_wait3A_281] : memref<5x80x16xf32, #tpu.memory_space<vmem>> -> memref<1x80x16xf32, #tpu.memory_space<vmem>>
      %dma_wait3A_283 = tpu.memref_squeeze %dma_wait3A_282 : memref<1x80x16xf32, #tpu.memory_space<vmem>> -> memref<80x16xf32, #tpu.memory_space<vmem>>
      tpu.wait_dma2 semaphore(%arg8 : memref<!tpu.dma_semaphore, #tpu.memory_space<semaphore_mem>>) src(%dma_wait3A_283 : memref<80x16xf32, #tpu.memory_space<vmem>>) dst(%dma_wait3A_279 : memref<80x16xf32, #tpu.memory_space<hbm>>)
    }
    %scan3A_7 = arith.constant 25 : i32
    return
  }
}

#map = affine_map<(d0, d1) -> (0, 0)>
#map1 = affine_map<(d0, d1) -> (0, 0, 0)>
module attributes {stable_mosaic.version = 14 : i64} {
  func.func @sk(%arg0: i32, %arg1: i32, %arg2: memref<320000x16xf32, #tpu.memory_space<hbm>>, %arg3: memref<32x125x80xi32, #tpu.memory_space<hbm>>, %arg4: memref<10000x16xf32, #tpu.memory_space<hbm>>, %arg5: memref<2x10000x16xf32, #tpu.memory_space<hbm>>, %arg6: memref<125x80xi32, #tpu.memory_space<vmem>>, %arg7: memref<5x80x16xf32, #tpu.memory_space<vmem>>, %arg8: memref<10000x16xf32, #tpu.memory_space<vmem_shared>>, %arg9: memref<!tpu.dma_semaphore, #tpu.memory_space<semaphore_mem>>) attributes {dimension_semantics = [#tpu.dimension_semantics<core_parallel>, #tpu.dimension_semantics<subcore_parallel>], iteration_bounds = array<i64: 2, 16>, scalar_prefetch = 0 : i64, scratch_operands = 4 : i64, tpu.core_type = #tpu.core_type<sc_vector_subcore>, window_params = [{transform_indices = #map}, {transform_indices = #map1}, {transform_indices = #map}, {transform_indices = #map1}]} {
    %mul3A = arith.constant 2 : i32
    %mul3A_0 = arith.muli %arg1, %mul3A : i32
    %add3A = arith.addi %mul3A_0, %arg0 : i32
    %mul3A_1 = arith.constant 10000 : i32
    %mul3A_2 = arith.muli %add3A, %mul3A_1 : i32
    %mul3A_3 = arith.constant 625 : i32
    %mul3A_4 = arith.muli %arg1, %mul3A_3 : i32
    "tpu.region"() ({
      %run_scoped3A = tpu.sem_alloc : memref<!tpu.dma_semaphore, #tpu.memory_space<semaphore_mem>>
      %dma_start3A = arith.constant 0 : i32
      %dma_start3A_11 = tpu.memref_slice %arg8[%mul3A_4, %dma_start3A] : memref<10000x16xf32, #tpu.memory_space<vmem_shared>> -> memref<625x16xf32, #tpu.memory_space<vmem_shared>>
      %dma_start3A_12 = arith.constant 0 : i32
      %dma_start3A_13 = tpu.memref_slice %arg4[%mul3A_4, %dma_start3A_12] : memref<10000x16xf32, #tpu.memory_space<hbm>> -> memref<625x16xf32, #tpu.memory_space<hbm>>
      tpu.enqueue_dma source(%dma_start3A_13 : memref<625x16xf32, #tpu.memory_space<hbm>>) target(%dma_start3A_11 : memref<625x16xf32, #tpu.memory_space<vmem_shared>>) target_semaphore(%run_scoped3A : memref<!tpu.dma_semaphore, #tpu.memory_space<semaphore_mem>>)
      %dma_wait3A = arith.constant 0 : i32
      %dma_wait3A_14 = tpu.memref_slice %arg8[%mul3A_4, %dma_wait3A] : memref<10000x16xf32, #tpu.memory_space<vmem_shared>> -> memref<625x16xf32, #tpu.memory_space<vmem_shared>>
      %dma_wait3A_15 = arith.constant 0 : i32
      %dma_wait3A_16 = tpu.memref_slice %arg4[%mul3A_4, %dma_wait3A_15] : memref<10000x16xf32, #tpu.memory_space<hbm>> -> memref<625x16xf32, #tpu.memory_space<hbm>>
      tpu.wait_dma2 semaphore(%run_scoped3A : memref<!tpu.dma_semaphore, #tpu.memory_space<semaphore_mem>>) src(%dma_wait3A_16 : memref<625x16xf32, #tpu.memory_space<hbm>>) dst(%dma_wait3A_14 : memref<625x16xf32, #tpu.memory_space<vmem_shared>>)
      tpu.yield
    }) : () -> ()
    "tpu.region"() ({
      %run_scoped3A = tpu.sem_alloc : memref<!tpu.dma_semaphore, #tpu.memory_space<semaphore_mem>>
      %dma_start3A = arith.constant 0 : i32
      %dma_start3A_11 = arith.constant 0 : i32
      %dma_start3A_12 = tpu.memref_slice %arg3[%add3A, %dma_start3A, %dma_start3A_11] : memref<32x125x80xi32, #tpu.memory_space<hbm>> -> memref<1x125x80xi32, #tpu.memory_space<hbm>>
      %dma_start3A_13 = tpu.memref_squeeze %dma_start3A_12 : memref<1x125x80xi32, #tpu.memory_space<hbm>> -> memref<125x80xi32, #tpu.memory_space<hbm>>
      %dma_start3A_14 = arith.constant 0 : i32
      %dma_start3A_15 = arith.constant 0 : i32
      %dma_start3A_16 = tpu.memref_slice %arg3[%add3A, %dma_start3A_14, %dma_start3A_15] : memref<32x125x80xi32, #tpu.memory_space<hbm>> -> memref<1x125x80xi32, #tpu.memory_space<hbm>>
      %dma_start3A_17 = tpu.memref_squeeze %dma_start3A_16 : memref<1x125x80xi32, #tpu.memory_space<hbm>> -> memref<125x80xi32, #tpu.memory_space<hbm>>
      tpu.enqueue_dma source(%dma_start3A_17 : memref<125x80xi32, #tpu.memory_space<hbm>>) target(%arg6 : memref<125x80xi32, #tpu.memory_space<vmem>>) target_semaphore(%run_scoped3A : memref<!tpu.dma_semaphore, #tpu.memory_space<semaphore_mem>>)
      %dma_wait3A = arith.constant 0 : i32
      %dma_wait3A_18 = arith.constant 0 : i32
      %dma_wait3A_19 = tpu.memref_slice %arg3[%add3A, %dma_wait3A, %dma_wait3A_18] : memref<32x125x80xi32, #tpu.memory_space<hbm>> -> memref<1x125x80xi32, #tpu.memory_space<hbm>>
      %dma_wait3A_20 = tpu.memref_squeeze %dma_wait3A_19 : memref<1x125x80xi32, #tpu.memory_space<hbm>> -> memref<125x80xi32, #tpu.memory_space<hbm>>
      %dma_wait3A_21 = arith.constant 0 : i32
      %dma_wait3A_22 = arith.constant 0 : i32
      %dma_wait3A_23 = tpu.memref_slice %arg3[%add3A, %dma_wait3A_21, %dma_wait3A_22] : memref<32x125x80xi32, #tpu.memory_space<hbm>> -> memref<1x125x80xi32, #tpu.memory_space<hbm>>
      %dma_wait3A_24 = tpu.memref_squeeze %dma_wait3A_23 : memref<1x125x80xi32, #tpu.memory_space<hbm>> -> memref<125x80xi32, #tpu.memory_space<hbm>>
      tpu.wait_dma2 semaphore(%run_scoped3A : memref<!tpu.dma_semaphore, #tpu.memory_space<semaphore_mem>>) src(%dma_wait3A_24 : memref<125x80xi32, #tpu.memory_space<hbm>>) dst(%arg6 : memref<125x80xi32, #tpu.memory_space<vmem>>)
      tpu.yield
    }) : () -> ()
    %barrier3A = arith.constant 0 : index
    tpu.barrier barrier_id(%barrier3A)
    %scan3A = arith.constant 0 : i32
    %scan3A_5 = arith.constant 0 : i32
    %scan3A_6 = arith.constant 25 : i32
    %scan3A_7 = arith.addi %scan3A_5, %scan3A_6 : i32
    %scan3A_8 = arith.constant 1 : i32
    scf.for %scan3A_11 = %scan3A_5 to %scan3A_7 step %scan3A_8  : i32 {
      %mul3A_12 = arith.constant 5 : i32
      %mul3A_13 = arith.muli %scan3A_11, %mul3A_12 : i32
      %add3A_14 = arith.constant 0 : i32
      %add3A_15 = arith.addi %mul3A_13, %add3A_14 : i32
      %mul3A_16 = arith.constant 80 : i32
      %mul3A_17 = arith.muli %add3A_15, %mul3A_16 : i32
      %add3A_18 = arith.addi %mul3A_2, %mul3A_17 : i32
      %dma_start3A = arith.constant 0 : i32
      %dma_start3A_19 = arith.constant 0 : i32
      %dma_start3A_20 = arith.constant 0 : i32
      %dma_start3A_21 = tpu.memref_slice %arg7[%dma_start3A, %dma_start3A_19, %dma_start3A_20] : memref<5x80x16xf32, #tpu.memory_space<vmem>> -> memref<1x80x16xf32, #tpu.memory_space<vmem>>
      %dma_start3A_22 = tpu.memref_squeeze %dma_start3A_21 : memref<1x80x16xf32, #tpu.memory_space<vmem>> -> memref<80x16xf32, #tpu.memory_space<vmem>>
      %dma_start3A_23 = arith.constant 0 : i32
      %dma_start3A_24 = tpu.memref_slice %arg2[%add3A_18, %dma_start3A_23] : memref<320000x16xf32, #tpu.memory_space<hbm>> -> memref<80x16xf32, #tpu.memory_space<hbm>>
      %dma_start3A_25 = arith.constant 0 : i32
      %dma_start3A_26 = arith.constant 0 : i32
      %dma_start3A_27 = tpu.memref_slice %arg7[%dma_start3A, %dma_start3A_25, %dma_start3A_26] : memref<5x80x16xf32, #tpu.memory_space<vmem>> -> memref<1x80x16xf32, #tpu.memory_space<vmem>>
      %dma_start3A_28 = tpu.memref_squeeze %dma_start3A_27 : memref<1x80x16xf32, #tpu.memory_space<vmem>> -> memref<80x16xf32, #tpu.memory_space<vmem>>
      %dma_start3A_29 = arith.constant 0 : i32
      %dma_start3A_30 = tpu.memref_slice %arg2[%add3A_18, %dma_start3A_29] : memref<320000x16xf32, #tpu.memory_space<hbm>> -> memref<80x16xf32, #tpu.memory_space<hbm>>
      tpu.enqueue_dma source(%dma_start3A_30 : memref<80x16xf32, #tpu.memory_space<hbm>>) target(%dma_start3A_28 : memref<80x16xf32, #tpu.memory_space<vmem>>) target_semaphore(%arg9 : memref<!tpu.dma_semaphore, #tpu.memory_space<semaphore_mem>>)
      %add3A_31 = arith.constant 1 : i32
      %add3A_32 = arith.addi %mul3A_13, %add3A_31 : i32
      %mul3A_33 = arith.constant 80 : i32
      %mul3A_34 = arith.muli %add3A_32, %mul3A_33 : i32
      %add3A_35 = arith.addi %mul3A_2, %mul3A_34 : i32
      %dma_start3A_36 = arith.constant 1 : i32
      %dma_start3A_37 = arith.constant 0 : i32
      %dma_start3A_38 = arith.constant 0 : i32
      %dma_start3A_39 = tpu.memref_slice %arg7[%dma_start3A_36, %dma_start3A_37, %dma_start3A_38] : memref<5x80x16xf32, #tpu.memory_space<vmem>> -> memref<1x80x16xf32, #tpu.memory_space<vmem>>
      %dma_start3A_40 = tpu.memref_squeeze %dma_start3A_39 : memref<1x80x16xf32, #tpu.memory_space<vmem>> -> memref<80x16xf32, #tpu.memory_space<vmem>>
      %dma_start3A_41 = arith.constant 0 : i32
      %dma_start3A_42 = tpu.memref_slice %arg2[%add3A_35, %dma_start3A_41] : memref<320000x16xf32, #tpu.memory_space<hbm>> -> memref<80x16xf32, #tpu.memory_space<hbm>>
      %dma_start3A_43 = arith.constant 0 : i32
      %dma_start3A_44 = arith.constant 0 : i32
      %dma_start3A_45 = tpu.memref_slice %arg7[%dma_start3A_36, %dma_start3A_43, %dma_start3A_44] : memref<5x80x16xf32, #tpu.memory_space<vmem>> -> memref<1x80x16xf32, #tpu.memory_space<vmem>>
      %dma_start3A_46 = tpu.memref_squeeze %dma_start3A_45 : memref<1x80x16xf32, #tpu.memory_space<vmem>> -> memref<80x16xf32, #tpu.memory_space<vmem>>
      %dma_start3A_47 = arith.constant 0 : i32
      %dma_start3A_48 = tpu.memref_slice %arg2[%add3A_35, %dma_start3A_47] : memref<320000x16xf32, #tpu.memory_space<hbm>> -> memref<80x16xf32, #tpu.memory_space<hbm>>
      tpu.enqueue_dma source(%dma_start3A_48 : memref<80x16xf32, #tpu.memory_space<hbm>>) target(%dma_start3A_46 : memref<80x16xf32, #tpu.memory_space<vmem>>) target_semaphore(%arg9 : memref<!tpu.dma_semaphore, #tpu.memory_space<semaphore_mem>>)
      %add3A_49 = arith.constant 2 : i32
      %add3A_50 = arith.addi %mul3A_13, %add3A_49 : i32
      %mul3A_51 = arith.constant 80 : i32
      %mul3A_52 = arith.muli %add3A_50, %mul3A_51 : i32
      %add3A_53 = arith.addi %mul3A_2, %mul3A_52 : i32
      %dma_start3A_54 = arith.constant 2 : i32
      %dma_start3A_55 = arith.constant 0 : i32
      %dma_start3A_56 = arith.constant 0 : i32
      %dma_start3A_57 = tpu.memref_slice %arg7[%dma_start3A_54, %dma_start3A_55, %dma_start3A_56] : memref<5x80x16xf32, #tpu.memory_space<vmem>> -> memref<1x80x16xf32, #tpu.memory_space<vmem>>
      %dma_start3A_58 = tpu.memref_squeeze %dma_start3A_57 : memref<1x80x16xf32, #tpu.memory_space<vmem>> -> memref<80x16xf32, #tpu.memory_space<vmem>>
      %dma_start3A_59 = arith.constant 0 : i32
      %dma_start3A_60 = tpu.memref_slice %arg2[%add3A_53, %dma_start3A_59] : memref<320000x16xf32, #tpu.memory_space<hbm>> -> memref<80x16xf32, #tpu.memory_space<hbm>>
      %dma_start3A_61 = arith.constant 0 : i32
      %dma_start3A_62 = arith.constant 0 : i32
      %dma_start3A_63 = tpu.memref_slice %arg7[%dma_start3A_54, %dma_start3A_61, %dma_start3A_62] : memref<5x80x16xf32, #tpu.memory_space<vmem>> -> memref<1x80x16xf32, #tpu.memory_space<vmem>>
      %dma_start3A_64 = tpu.memref_squeeze %dma_start3A_63 : memref<1x80x16xf32, #tpu.memory_space<vmem>> -> memref<80x16xf32, #tpu.memory_space<vmem>>
      %dma_start3A_65 = arith.constant 0 : i32
      %dma_start3A_66 = tpu.memref_slice %arg2[%add3A_53, %dma_start3A_65] : memref<320000x16xf32, #tpu.memory_space<hbm>> -> memref<80x16xf32, #tpu.memory_space<hbm>>
      tpu.enqueue_dma source(%dma_start3A_66 : memref<80x16xf32, #tpu.memory_space<hbm>>) target(%dma_start3A_64 : memref<80x16xf32, #tpu.memory_space<vmem>>) target_semaphore(%arg9 : memref<!tpu.dma_semaphore, #tpu.memory_space<semaphore_mem>>)
      %add3A_67 = arith.constant 3 : i32
      %add3A_68 = arith.addi %mul3A_13, %add3A_67 : i32
      %mul3A_69 = arith.constant 80 : i32
      %mul3A_70 = arith.muli %add3A_68, %mul3A_69 : i32
      %add3A_71 = arith.addi %mul3A_2, %mul3A_70 : i32
      %dma_start3A_72 = arith.constant 3 : i32
      %dma_start3A_73 = arith.constant 0 : i32
      %dma_start3A_74 = arith.constant 0 : i32
      %dma_start3A_75 = tpu.memref_slice %arg7[%dma_start3A_72, %dma_start3A_73, %dma_start3A_74] : memref<5x80x16xf32, #tpu.memory_space<vmem>> -> memref<1x80x16xf32, #tpu.memory_space<vmem>>
      %dma_start3A_76 = tpu.memref_squeeze %dma_start3A_75 : memref<1x80x16xf32, #tpu.memory_space<vmem>> -> memref<80x16xf32, #tpu.memory_space<vmem>>
      %dma_start3A_77 = arith.constant 0 : i32
      %dma_start3A_78 = tpu.memref_slice %arg2[%add3A_71, %dma_start3A_77] : memref<320000x16xf32, #tpu.memory_space<hbm>> -> memref<80x16xf32, #tpu.memory_space<hbm>>
      %dma_start3A_79 = arith.constant 0 : i32
      %dma_start3A_80 = arith.constant 0 : i32
      %dma_start3A_81 = tpu.memref_slice %arg7[%dma_start3A_72, %dma_start3A_79, %dma_start3A_80] : memref<5x80x16xf32, #tpu.memory_space<vmem>> -> memref<1x80x16xf32, #tpu.memory_space<vmem>>
      %dma_start3A_82 = tpu.memref_squeeze %dma_start3A_81 : memref<1x80x16xf32, #tpu.memory_space<vmem>> -> memref<80x16xf32, #tpu.memory_space<vmem>>
      %dma_start3A_83 = arith.constant 0 : i32
      %dma_start3A_84 = tpu.memref_slice %arg2[%add3A_71, %dma_start3A_83] : memref<320000x16xf32, #tpu.memory_space<hbm>> -> memref<80x16xf32, #tpu.memory_space<hbm>>
      tpu.enqueue_dma source(%dma_start3A_84 : memref<80x16xf32, #tpu.memory_space<hbm>>) target(%dma_start3A_82 : memref<80x16xf32, #tpu.memory_space<vmem>>) target_semaphore(%arg9 : memref<!tpu.dma_semaphore, #tpu.memory_space<semaphore_mem>>)
      %add3A_85 = arith.constant 4 : i32
      %add3A_86 = arith.addi %mul3A_13, %add3A_85 : i32
      %mul3A_87 = arith.constant 80 : i32
      %mul3A_88 = arith.muli %add3A_86, %mul3A_87 : i32
      %add3A_89 = arith.addi %mul3A_2, %mul3A_88 : i32
      %dma_start3A_90 = arith.constant 4 : i32
      %dma_start3A_91 = arith.constant 0 : i32
      %dma_start3A_92 = arith.constant 0 : i32
      %dma_start3A_93 = tpu.memref_slice %arg7[%dma_start3A_90, %dma_start3A_91, %dma_start3A_92] : memref<5x80x16xf32, #tpu.memory_space<vmem>> -> memref<1x80x16xf32, #tpu.memory_space<vmem>>
      %dma_start3A_94 = tpu.memref_squeeze %dma_start3A_93 : memref<1x80x16xf32, #tpu.memory_space<vmem>> -> memref<80x16xf32, #tpu.memory_space<vmem>>
      %dma_start3A_95 = arith.constant 0 : i32
      %dma_start3A_96 = tpu.memref_slice %arg2[%add3A_89, %dma_start3A_95] : memref<320000x16xf32, #tpu.memory_space<hbm>> -> memref<80x16xf32, #tpu.memory_space<hbm>>
      %dma_start3A_97 = arith.constant 0 : i32
      %dma_start3A_98 = arith.constant 0 : i32
      %dma_start3A_99 = tpu.memref_slice %arg7[%dma_start3A_90, %dma_start3A_97, %dma_start3A_98] : memref<5x80x16xf32, #tpu.memory_space<vmem>> -> memref<1x80x16xf32, #tpu.memory_space<vmem>>
      %dma_start3A_100 = tpu.memref_squeeze %dma_start3A_99 : memref<1x80x16xf32, #tpu.memory_space<vmem>> -> memref<80x16xf32, #tpu.memory_space<vmem>>
      %dma_start3A_101 = arith.constant 0 : i32
      %dma_start3A_102 = tpu.memref_slice %arg2[%add3A_89, %dma_start3A_101] : memref<320000x16xf32, #tpu.memory_space<hbm>> -> memref<80x16xf32, #tpu.memory_space<hbm>>
      tpu.enqueue_dma source(%dma_start3A_102 : memref<80x16xf32, #tpu.memory_space<hbm>>) target(%dma_start3A_100 : memref<80x16xf32, #tpu.memory_space<vmem>>) target_semaphore(%arg9 : memref<!tpu.dma_semaphore, #tpu.memory_space<semaphore_mem>>)
      %dma_wait3A = arith.constant 0 : i32
      %dma_wait3A_103 = arith.constant 0 : i32
      %dma_wait3A_104 = arith.constant 0 : i32
      %dma_wait3A_105 = tpu.memref_slice %arg7[%dma_wait3A, %dma_wait3A_103, %dma_wait3A_104] : memref<5x80x16xf32, #tpu.memory_space<vmem>> -> memref<1x80x16xf32, #tpu.memory_space<vmem>>
      %dma_wait3A_106 = tpu.memref_squeeze %dma_wait3A_105 : memref<1x80x16xf32, #tpu.memory_space<vmem>> -> memref<80x16xf32, #tpu.memory_space<vmem>>
      %dma_wait3A_107 = arith.constant 0 : i32
      %dma_wait3A_108 = tpu.memref_slice %arg2[%add3A_18, %dma_wait3A_107] : memref<320000x16xf32, #tpu.memory_space<hbm>> -> memref<80x16xf32, #tpu.memory_space<hbm>>
      %dma_wait3A_109 = arith.constant 0 : i32
      %dma_wait3A_110 = arith.constant 0 : i32
      %dma_wait3A_111 = tpu.memref_slice %arg7[%dma_wait3A, %dma_wait3A_109, %dma_wait3A_110] : memref<5x80x16xf32, #tpu.memory_space<vmem>> -> memref<1x80x16xf32, #tpu.memory_space<vmem>>
      %dma_wait3A_112 = tpu.memref_squeeze %dma_wait3A_111 : memref<1x80x16xf32, #tpu.memory_space<vmem>> -> memref<80x16xf32, #tpu.memory_space<vmem>>
      %dma_wait3A_113 = arith.constant 0 : i32
      %dma_wait3A_114 = tpu.memref_slice %arg2[%add3A_18, %dma_wait3A_113] : memref<320000x16xf32, #tpu.memory_space<hbm>> -> memref<80x16xf32, #tpu.memory_space<hbm>>
      tpu.wait_dma2 semaphore(%arg9 : memref<!tpu.dma_semaphore, #tpu.memory_space<semaphore_mem>>) src(%dma_wait3A_114 : memref<80x16xf32, #tpu.memory_space<hbm>>) dst(%dma_wait3A_112 : memref<80x16xf32, #tpu.memory_space<vmem>>)
      %dma_wait3A_115 = arith.constant 1 : i32
      %dma_wait3A_116 = arith.constant 0 : i32
      %dma_wait3A_117 = arith.constant 0 : i32
      %dma_wait3A_118 = tpu.memref_slice %arg7[%dma_wait3A_115, %dma_wait3A_116, %dma_wait3A_117] : memref<5x80x16xf32, #tpu.memory_space<vmem>> -> memref<1x80x16xf32, #tpu.memory_space<vmem>>
      %dma_wait3A_119 = tpu.memref_squeeze %dma_wait3A_118 : memref<1x80x16xf32, #tpu.memory_space<vmem>> -> memref<80x16xf32, #tpu.memory_space<vmem>>
      %dma_wait3A_120 = arith.constant 0 : i32
      %dma_wait3A_121 = tpu.memref_slice %arg2[%add3A_35, %dma_wait3A_120] : memref<320000x16xf32, #tpu.memory_space<hbm>> -> memref<80x16xf32, #tpu.memory_space<hbm>>
      %dma_wait3A_122 = arith.constant 0 : i32
      %dma_wait3A_123 = arith.constant 0 : i32
      %dma_wait3A_124 = tpu.memref_slice %arg7[%dma_wait3A_115, %dma_wait3A_122, %dma_wait3A_123] : memref<5x80x16xf32, #tpu.memory_space<vmem>> -> memref<1x80x16xf32, #tpu.memory_space<vmem>>
      %dma_wait3A_125 = tpu.memref_squeeze %dma_wait3A_124 : memref<1x80x16xf32, #tpu.memory_space<vmem>> -> memref<80x16xf32, #tpu.memory_space<vmem>>
      %dma_wait3A_126 = arith.constant 0 : i32
      %dma_wait3A_127 = tpu.memref_slice %arg2[%add3A_35, %dma_wait3A_126] : memref<320000x16xf32, #tpu.memory_space<hbm>> -> memref<80x16xf32, #tpu.memory_space<hbm>>
      tpu.wait_dma2 semaphore(%arg9 : memref<!tpu.dma_semaphore, #tpu.memory_space<semaphore_mem>>) src(%dma_wait3A_127 : memref<80x16xf32, #tpu.memory_space<hbm>>) dst(%dma_wait3A_125 : memref<80x16xf32, #tpu.memory_space<vmem>>)
      %dma_wait3A_128 = arith.constant 2 : i32
      %dma_wait3A_129 = arith.constant 0 : i32
      %dma_wait3A_130 = arith.constant 0 : i32
      %dma_wait3A_131 = tpu.memref_slice %arg7[%dma_wait3A_128, %dma_wait3A_129, %dma_wait3A_130] : memref<5x80x16xf32, #tpu.memory_space<vmem>> -> memref<1x80x16xf32, #tpu.memory_space<vmem>>
      %dma_wait3A_132 = tpu.memref_squeeze %dma_wait3A_131 : memref<1x80x16xf32, #tpu.memory_space<vmem>> -> memref<80x16xf32, #tpu.memory_space<vmem>>
      %dma_wait3A_133 = arith.constant 0 : i32
      %dma_wait3A_134 = tpu.memref_slice %arg2[%add3A_53, %dma_wait3A_133] : memref<320000x16xf32, #tpu.memory_space<hbm>> -> memref<80x16xf32, #tpu.memory_space<hbm>>
      %dma_wait3A_135 = arith.constant 0 : i32
      %dma_wait3A_136 = arith.constant 0 : i32
      %dma_wait3A_137 = tpu.memref_slice %arg7[%dma_wait3A_128, %dma_wait3A_135, %dma_wait3A_136] : memref<5x80x16xf32, #tpu.memory_space<vmem>> -> memref<1x80x16xf32, #tpu.memory_space<vmem>>
      %dma_wait3A_138 = tpu.memref_squeeze %dma_wait3A_137 : memref<1x80x16xf32, #tpu.memory_space<vmem>> -> memref<80x16xf32, #tpu.memory_space<vmem>>
      %dma_wait3A_139 = arith.constant 0 : i32
      %dma_wait3A_140 = tpu.memref_slice %arg2[%add3A_53, %dma_wait3A_139] : memref<320000x16xf32, #tpu.memory_space<hbm>> -> memref<80x16xf32, #tpu.memory_space<hbm>>
      tpu.wait_dma2 semaphore(%arg9 : memref<!tpu.dma_semaphore, #tpu.memory_space<semaphore_mem>>) src(%dma_wait3A_140 : memref<80x16xf32, #tpu.memory_space<hbm>>) dst(%dma_wait3A_138 : memref<80x16xf32, #tpu.memory_space<vmem>>)
      %dma_wait3A_141 = arith.constant 3 : i32
      %dma_wait3A_142 = arith.constant 0 : i32
      %dma_wait3A_143 = arith.constant 0 : i32
      %dma_wait3A_144 = tpu.memref_slice %arg7[%dma_wait3A_141, %dma_wait3A_142, %dma_wait3A_143] : memref<5x80x16xf32, #tpu.memory_space<vmem>> -> memref<1x80x16xf32, #tpu.memory_space<vmem>>
      %dma_wait3A_145 = tpu.memref_squeeze %dma_wait3A_144 : memref<1x80x16xf32, #tpu.memory_space<vmem>> -> memref<80x16xf32, #tpu.memory_space<vmem>>
      %dma_wait3A_146 = arith.constant 0 : i32
      %dma_wait3A_147 = tpu.memref_slice %arg2[%add3A_71, %dma_wait3A_146] : memref<320000x16xf32, #tpu.memory_space<hbm>> -> memref<80x16xf32, #tpu.memory_space<hbm>>
      %dma_wait3A_148 = arith.constant 0 : i32
      %dma_wait3A_149 = arith.constant 0 : i32
      %dma_wait3A_150 = tpu.memref_slice %arg7[%dma_wait3A_141, %dma_wait3A_148, %dma_wait3A_149] : memref<5x80x16xf32, #tpu.memory_space<vmem>> -> memref<1x80x16xf32, #tpu.memory_space<vmem>>
      %dma_wait3A_151 = tpu.memref_squeeze %dma_wait3A_150 : memref<1x80x16xf32, #tpu.memory_space<vmem>> -> memref<80x16xf32, #tpu.memory_space<vmem>>
      %dma_wait3A_152 = arith.constant 0 : i32
      %dma_wait3A_153 = tpu.memref_slice %arg2[%add3A_71, %dma_wait3A_152] : memref<320000x16xf32, #tpu.memory_space<hbm>> -> memref<80x16xf32, #tpu.memory_space<hbm>>
      tpu.wait_dma2 semaphore(%arg9 : memref<!tpu.dma_semaphore, #tpu.memory_space<semaphore_mem>>) src(%dma_wait3A_153 : memref<80x16xf32, #tpu.memory_space<hbm>>) dst(%dma_wait3A_151 : memref<80x16xf32, #tpu.memory_space<vmem>>)
      %dma_wait3A_154 = arith.constant 4 : i32
      %dma_wait3A_155 = arith.constant 0 : i32
      %dma_wait3A_156 = arith.constant 0 : i32
      %dma_wait3A_157 = tpu.memref_slice %arg7[%dma_wait3A_154, %dma_wait3A_155, %dma_wait3A_156] : memref<5x80x16xf32, #tpu.memory_space<vmem>> -> memref<1x80x16xf32, #tpu.memory_space<vmem>>
      %dma_wait3A_158 = tpu.memref_squeeze %dma_wait3A_157 : memref<1x80x16xf32, #tpu.memory_space<vmem>> -> memref<80x16xf32, #tpu.memory_space<vmem>>
      %dma_wait3A_159 = arith.constant 0 : i32
      %dma_wait3A_160 = tpu.memref_slice %arg2[%add3A_89, %dma_wait3A_159] : memref<320000x16xf32, #tpu.memory_space<hbm>> -> memref<80x16xf32, #tpu.memory_space<hbm>>
      %dma_wait3A_161 = arith.constant 0 : i32
      %dma_wait3A_162 = arith.constant 0 : i32
      %dma_wait3A_163 = tpu.memref_slice %arg7[%dma_wait3A_154, %dma_wait3A_161, %dma_wait3A_162] : memref<5x80x16xf32, #tpu.memory_space<vmem>> -> memref<1x80x16xf32, #tpu.memory_space<vmem>>
      %dma_wait3A_164 = tpu.memref_squeeze %dma_wait3A_163 : memref<1x80x16xf32, #tpu.memory_space<vmem>> -> memref<80x16xf32, #tpu.memory_space<vmem>>
      %dma_wait3A_165 = arith.constant 0 : i32
      %dma_wait3A_166 = tpu.memref_slice %arg2[%add3A_89, %dma_wait3A_165] : memref<320000x16xf32, #tpu.memory_space<hbm>> -> memref<80x16xf32, #tpu.memory_space<hbm>>
      tpu.wait_dma2 semaphore(%arg9 : memref<!tpu.dma_semaphore, #tpu.memory_space<semaphore_mem>>) src(%dma_wait3A_166 : memref<80x16xf32, #tpu.memory_space<hbm>>) dst(%dma_wait3A_164 : memref<80x16xf32, #tpu.memory_space<vmem>>)
      %add3A_167 = arith.constant 0 : i32
      %add3A_168 = arith.addi %mul3A_13, %add3A_167 : i32
      %run_scoped3A = arith.constant 0 : i32
      "tpu.region"() ({
        %run_scoped3A_181 = tpu.sem_alloc : memref<!tpu.dma_semaphore, #tpu.memory_space<semaphore_mem>>
        %dma_start3A_182 = arith.constant 0 : i32
        %dma_start3A_183 = arith.constant 0 : i32
        %dma_start3A_184 = tpu.memref_slice %arg7[%run_scoped3A, %dma_start3A_182, %dma_start3A_183] : memref<5x80x16xf32, #tpu.memory_space<vmem>> -> memref<1x80x16xf32, #tpu.memory_space<vmem>>
        %dma_start3A_185 = tpu.memref_squeeze %dma_start3A_184 : memref<1x80x16xf32, #tpu.memory_space<vmem>> -> memref<80x16xf32, #tpu.memory_space<vmem>>
        %dma_start3A_186 = arith.constant 0 : i32
        %dma_start3A_187 = tpu.memref_slice %arg6[%add3A_168, %dma_start3A_186] : memref<125x80xi32, #tpu.memory_space<vmem>> -> memref<1x80xi32, #tpu.memory_space<vmem>>
        %dma_start3A_188 = tpu.memref_squeeze %dma_start3A_187 : memref<1x80xi32, #tpu.memory_space<vmem>> -> memref<80xi32, #tpu.memory_space<vmem>>
        %dma_start3A_189 = arith.constant 0 : i32
        %dma_start3A_190 = arith.constant 0 : i32
        %dma_start3A_191 = tpu.memref_slice %arg8[%dma_start3A_189, %dma_start3A_190] : memref<10000x16xf32, #tpu.memory_space<vmem_shared>> -> memref<10000x16xf32, #tpu.memory_space<vmem_shared>>
        tpu.enqueue_indirect_dma source(%dma_start3A_185 : memref<80x16xf32, #tpu.memory_space<vmem>>) target(%dma_start3A_191 : memref<10000x16xf32, #tpu.memory_space<vmem_shared>>) offsets(%dma_start3A_188 : memref<80xi32, #tpu.memory_space<vmem>>) semaphore(%run_scoped3A_181 : memref<!tpu.dma_semaphore, #tpu.memory_space<semaphore_mem>>) {add = true}
        %dma_wait3A_192 = arith.constant 0 : i32
        %dma_wait3A_193 = arith.constant 0 : i32
        %dma_wait3A_194 = tpu.memref_slice %arg7[%run_scoped3A, %dma_wait3A_192, %dma_wait3A_193] : memref<5x80x16xf32, #tpu.memory_space<vmem>> -> memref<1x80x16xf32, #tpu.memory_space<vmem>>
        %dma_wait3A_195 = tpu.memref_squeeze %dma_wait3A_194 : memref<1x80x16xf32, #tpu.memory_space<vmem>> -> memref<80x16xf32, #tpu.memory_space<vmem>>
        %dma_wait3A_196 = arith.constant 0 : i32
        %dma_wait3A_197 = tpu.memref_slice %arg6[%add3A_168, %dma_wait3A_196] : memref<125x80xi32, #tpu.memory_space<vmem>> -> memref<1x80xi32, #tpu.memory_space<vmem>>
        %dma_wait3A_198 = tpu.memref_squeeze %dma_wait3A_197 : memref<1x80xi32, #tpu.memory_space<vmem>> -> memref<80xi32, #tpu.memory_space<vmem>>
        %dma_wait3A_199 = arith.constant 0 : i32
        %dma_wait3A_200 = arith.constant 0 : i32
        %dma_wait3A_201 = tpu.memref_slice %arg8[%dma_wait3A_199, %dma_wait3A_200] : memref<10000x16xf32, #tpu.memory_space<vmem_shared>> -> memref<10000x16xf32, #tpu.memory_space<vmem_shared>>
        tpu.wait_indirect_dma semaphore(%run_scoped3A_181 : memref<!tpu.dma_semaphore, #tpu.memory_space<semaphore_mem>>) src(%dma_wait3A_195 : memref<80x16xf32, #tpu.memory_space<vmem>>) dst(%dma_wait3A_201 : memref<10000x16xf32, #tpu.memory_space<vmem_shared>>)
        tpu.yield
      }) : () -> ()
      %add3A_169 = arith.constant 1 : i32
      %add3A_170 = arith.addi %mul3A_13, %add3A_169 : i32
      %run_scoped3A_171 = arith.constant 1 : i32
      "tpu.region"() ({
        %run_scoped3A_181 = tpu.sem_alloc : memref<!tpu.dma_semaphore, #tpu.memory_space<semaphore_mem>>
        %dma_start3A_182 = arith.constant 0 : i32
        %dma_start3A_183 = arith.constant 0 : i32
        %dma_start3A_184 = tpu.memref_slice %arg7[%run_scoped3A_171, %dma_start3A_182, %dma_start3A_183] : memref<5x80x16xf32, #tpu.memory_space<vmem>> -> memref<1x80x16xf32, #tpu.memory_space<vmem>>
        %dma_start3A_185 = tpu.memref_squeeze %dma_start3A_184 : memref<1x80x16xf32, #tpu.memory_space<vmem>> -> memref<80x16xf32, #tpu.memory_space<vmem>>
        %dma_start3A_186 = arith.constant 0 : i32
        %dma_start3A_187 = tpu.memref_slice %arg6[%add3A_170, %dma_start3A_186] : memref<125x80xi32, #tpu.memory_space<vmem>> -> memref<1x80xi32, #tpu.memory_space<vmem>>
        %dma_start3A_188 = tpu.memref_squeeze %dma_start3A_187 : memref<1x80xi32, #tpu.memory_space<vmem>> -> memref<80xi32, #tpu.memory_space<vmem>>
        %dma_start3A_189 = arith.constant 0 : i32
        %dma_start3A_190 = arith.constant 0 : i32
        %dma_start3A_191 = tpu.memref_slice %arg8[%dma_start3A_189, %dma_start3A_190] : memref<10000x16xf32, #tpu.memory_space<vmem_shared>> -> memref<10000x16xf32, #tpu.memory_space<vmem_shared>>
        tpu.enqueue_indirect_dma source(%dma_start3A_185 : memref<80x16xf32, #tpu.memory_space<vmem>>) target(%dma_start3A_191 : memref<10000x16xf32, #tpu.memory_space<vmem_shared>>) offsets(%dma_start3A_188 : memref<80xi32, #tpu.memory_space<vmem>>) semaphore(%run_scoped3A_181 : memref<!tpu.dma_semaphore, #tpu.memory_space<semaphore_mem>>) {add = true}
        %dma_wait3A_192 = arith.constant 0 : i32
        %dma_wait3A_193 = arith.constant 0 : i32
        %dma_wait3A_194 = tpu.memref_slice %arg7[%run_scoped3A_171, %dma_wait3A_192, %dma_wait3A_193] : memref<5x80x16xf32, #tpu.memory_space<vmem>> -> memref<1x80x16xf32, #tpu.memory_space<vmem>>
        %dma_wait3A_195 = tpu.memref_squeeze %dma_wait3A_194 : memref<1x80x16xf32, #tpu.memory_space<vmem>> -> memref<80x16xf32, #tpu.memory_space<vmem>>
        %dma_wait3A_196 = arith.constant 0 : i32
        %dma_wait3A_197 = tpu.memref_slice %arg6[%add3A_170, %dma_wait3A_196] : memref<125x80xi32, #tpu.memory_space<vmem>> -> memref<1x80xi32, #tpu.memory_space<vmem>>
        %dma_wait3A_198 = tpu.memref_squeeze %dma_wait3A_197 : memref<1x80xi32, #tpu.memory_space<vmem>> -> memref<80xi32, #tpu.memory_space<vmem>>
        %dma_wait3A_199 = arith.constant 0 : i32
        %dma_wait3A_200 = arith.constant 0 : i32
        %dma_wait3A_201 = tpu.memref_slice %arg8[%dma_wait3A_199, %dma_wait3A_200] : memref<10000x16xf32, #tpu.memory_space<vmem_shared>> -> memref<10000x16xf32, #tpu.memory_space<vmem_shared>>
        tpu.wait_indirect_dma semaphore(%run_scoped3A_181 : memref<!tpu.dma_semaphore, #tpu.memory_space<semaphore_mem>>) src(%dma_wait3A_195 : memref<80x16xf32, #tpu.memory_space<vmem>>) dst(%dma_wait3A_201 : memref<10000x16xf32, #tpu.memory_space<vmem_shared>>)
        tpu.yield
      }) : () -> ()
      %add3A_172 = arith.constant 2 : i32
      %add3A_173 = arith.addi %mul3A_13, %add3A_172 : i32
      %run_scoped3A_174 = arith.constant 2 : i32
      "tpu.region"() ({
        %run_scoped3A_181 = tpu.sem_alloc : memref<!tpu.dma_semaphore, #tpu.memory_space<semaphore_mem>>
        %dma_start3A_182 = arith.constant 0 : i32
        %dma_start3A_183 = arith.constant 0 : i32
        %dma_start3A_184 = tpu.memref_slice %arg7[%run_scoped3A_174, %dma_start3A_182, %dma_start3A_183] : memref<5x80x16xf32, #tpu.memory_space<vmem>> -> memref<1x80x16xf32, #tpu.memory_space<vmem>>
        %dma_start3A_185 = tpu.memref_squeeze %dma_start3A_184 : memref<1x80x16xf32, #tpu.memory_space<vmem>> -> memref<80x16xf32, #tpu.memory_space<vmem>>
        %dma_start3A_186 = arith.constant 0 : i32
        %dma_start3A_187 = tpu.memref_slice %arg6[%add3A_173, %dma_start3A_186] : memref<125x80xi32, #tpu.memory_space<vmem>> -> memref<1x80xi32, #tpu.memory_space<vmem>>
        %dma_start3A_188 = tpu.memref_squeeze %dma_start3A_187 : memref<1x80xi32, #tpu.memory_space<vmem>> -> memref<80xi32, #tpu.memory_space<vmem>>
        %dma_start3A_189 = arith.constant 0 : i32
        %dma_start3A_190 = arith.constant 0 : i32
        %dma_start3A_191 = tpu.memref_slice %arg8[%dma_start3A_189, %dma_start3A_190] : memref<10000x16xf32, #tpu.memory_space<vmem_shared>> -> memref<10000x16xf32, #tpu.memory_space<vmem_shared>>
        tpu.enqueue_indirect_dma source(%dma_start3A_185 : memref<80x16xf32, #tpu.memory_space<vmem>>) target(%dma_start3A_191 : memref<10000x16xf32, #tpu.memory_space<vmem_shared>>) offsets(%dma_start3A_188 : memref<80xi32, #tpu.memory_space<vmem>>) semaphore(%run_scoped3A_181 : memref<!tpu.dma_semaphore, #tpu.memory_space<semaphore_mem>>) {add = true}
        %dma_wait3A_192 = arith.constant 0 : i32
        %dma_wait3A_193 = arith.constant 0 : i32
        %dma_wait3A_194 = tpu.memref_slice %arg7[%run_scoped3A_174, %dma_wait3A_192, %dma_wait3A_193] : memref<5x80x16xf32, #tpu.memory_space<vmem>> -> memref<1x80x16xf32, #tpu.memory_space<vmem>>
        %dma_wait3A_195 = tpu.memref_squeeze %dma_wait3A_194 : memref<1x80x16xf32, #tpu.memory_space<vmem>> -> memref<80x16xf32, #tpu.memory_space<vmem>>
        %dma_wait3A_196 = arith.constant 0 : i32
        %dma_wait3A_197 = tpu.memref_slice %arg6[%add3A_173, %dma_wait3A_196] : memref<125x80xi32, #tpu.memory_space<vmem>> -> memref<1x80xi32, #tpu.memory_space<vmem>>
        %dma_wait3A_198 = tpu.memref_squeeze %dma_wait3A_197 : memref<1x80xi32, #tpu.memory_space<vmem>> -> memref<80xi32, #tpu.memory_space<vmem>>
        %dma_wait3A_199 = arith.constant 0 : i32
        %dma_wait3A_200 = arith.constant 0 : i32
        %dma_wait3A_201 = tpu.memref_slice %arg8[%dma_wait3A_199, %dma_wait3A_200] : memref<10000x16xf32, #tpu.memory_space<vmem_shared>> -> memref<10000x16xf32, #tpu.memory_space<vmem_shared>>
        tpu.wait_indirect_dma semaphore(%run_scoped3A_181 : memref<!tpu.dma_semaphore, #tpu.memory_space<semaphore_mem>>) src(%dma_wait3A_195 : memref<80x16xf32, #tpu.memory_space<vmem>>) dst(%dma_wait3A_201 : memref<10000x16xf32, #tpu.memory_space<vmem_shared>>)
        tpu.yield
      }) : () -> ()
      %add3A_175 = arith.constant 3 : i32
      %add3A_176 = arith.addi %mul3A_13, %add3A_175 : i32
      %run_scoped3A_177 = arith.constant 3 : i32
      "tpu.region"() ({
        %run_scoped3A_181 = tpu.sem_alloc : memref<!tpu.dma_semaphore, #tpu.memory_space<semaphore_mem>>
        %dma_start3A_182 = arith.constant 0 : i32
        %dma_start3A_183 = arith.constant 0 : i32
        %dma_start3A_184 = tpu.memref_slice %arg7[%run_scoped3A_177, %dma_start3A_182, %dma_start3A_183] : memref<5x80x16xf32, #tpu.memory_space<vmem>> -> memref<1x80x16xf32, #tpu.memory_space<vmem>>
        %dma_start3A_185 = tpu.memref_squeeze %dma_start3A_184 : memref<1x80x16xf32, #tpu.memory_space<vmem>> -> memref<80x16xf32, #tpu.memory_space<vmem>>
        %dma_start3A_186 = arith.constant 0 : i32
        %dma_start3A_187 = tpu.memref_slice %arg6[%add3A_176, %dma_start3A_186] : memref<125x80xi32, #tpu.memory_space<vmem>> -> memref<1x80xi32, #tpu.memory_space<vmem>>
        %dma_start3A_188 = tpu.memref_squeeze %dma_start3A_187 : memref<1x80xi32, #tpu.memory_space<vmem>> -> memref<80xi32, #tpu.memory_space<vmem>>
        %dma_start3A_189 = arith.constant 0 : i32
        %dma_start3A_190 = arith.constant 0 : i32
        %dma_start3A_191 = tpu.memref_slice %arg8[%dma_start3A_189, %dma_start3A_190] : memref<10000x16xf32, #tpu.memory_space<vmem_shared>> -> memref<10000x16xf32, #tpu.memory_space<vmem_shared>>
        tpu.enqueue_indirect_dma source(%dma_start3A_185 : memref<80x16xf32, #tpu.memory_space<vmem>>) target(%dma_start3A_191 : memref<10000x16xf32, #tpu.memory_space<vmem_shared>>) offsets(%dma_start3A_188 : memref<80xi32, #tpu.memory_space<vmem>>) semaphore(%run_scoped3A_181 : memref<!tpu.dma_semaphore, #tpu.memory_space<semaphore_mem>>) {add = true}
        %dma_wait3A_192 = arith.constant 0 : i32
        %dma_wait3A_193 = arith.constant 0 : i32
        %dma_wait3A_194 = tpu.memref_slice %arg7[%run_scoped3A_177, %dma_wait3A_192, %dma_wait3A_193] : memref<5x80x16xf32, #tpu.memory_space<vmem>> -> memref<1x80x16xf32, #tpu.memory_space<vmem>>
        %dma_wait3A_195 = tpu.memref_squeeze %dma_wait3A_194 : memref<1x80x16xf32, #tpu.memory_space<vmem>> -> memref<80x16xf32, #tpu.memory_space<vmem>>
        %dma_wait3A_196 = arith.constant 0 : i32
        %dma_wait3A_197 = tpu.memref_slice %arg6[%add3A_176, %dma_wait3A_196] : memref<125x80xi32, #tpu.memory_space<vmem>> -> memref<1x80xi32, #tpu.memory_space<vmem>>
        %dma_wait3A_198 = tpu.memref_squeeze %dma_wait3A_197 : memref<1x80xi32, #tpu.memory_space<vmem>> -> memref<80xi32, #tpu.memory_space<vmem>>
        %dma_wait3A_199 = arith.constant 0 : i32
        %dma_wait3A_200 = arith.constant 0 : i32
        %dma_wait3A_201 = tpu.memref_slice %arg8[%dma_wait3A_199, %dma_wait3A_200] : memref<10000x16xf32, #tpu.memory_space<vmem_shared>> -> memref<10000x16xf32, #tpu.memory_space<vmem_shared>>
        tpu.wait_indirect_dma semaphore(%run_scoped3A_181 : memref<!tpu.dma_semaphore, #tpu.memory_space<semaphore_mem>>) src(%dma_wait3A_195 : memref<80x16xf32, #tpu.memory_space<vmem>>) dst(%dma_wait3A_201 : memref<10000x16xf32, #tpu.memory_space<vmem_shared>>)
        tpu.yield
      }) : () -> ()
      %add3A_178 = arith.constant 4 : i32
      %add3A_179 = arith.addi %mul3A_13, %add3A_178 : i32
      %run_scoped3A_180 = arith.constant 4 : i32
      "tpu.region"() ({
        %run_scoped3A_181 = tpu.sem_alloc : memref<!tpu.dma_semaphore, #tpu.memory_space<semaphore_mem>>
        %dma_start3A_182 = arith.constant 0 : i32
        %dma_start3A_183 = arith.constant 0 : i32
        %dma_start3A_184 = tpu.memref_slice %arg7[%run_scoped3A_180, %dma_start3A_182, %dma_start3A_183] : memref<5x80x16xf32, #tpu.memory_space<vmem>> -> memref<1x80x16xf32, #tpu.memory_space<vmem>>
        %dma_start3A_185 = tpu.memref_squeeze %dma_start3A_184 : memref<1x80x16xf32, #tpu.memory_space<vmem>> -> memref<80x16xf32, #tpu.memory_space<vmem>>
        %dma_start3A_186 = arith.constant 0 : i32
        %dma_start3A_187 = tpu.memref_slice %arg6[%add3A_179, %dma_start3A_186] : memref<125x80xi32, #tpu.memory_space<vmem>> -> memref<1x80xi32, #tpu.memory_space<vmem>>
        %dma_start3A_188 = tpu.memref_squeeze %dma_start3A_187 : memref<1x80xi32, #tpu.memory_space<vmem>> -> memref<80xi32, #tpu.memory_space<vmem>>
        %dma_start3A_189 = arith.constant 0 : i32
        %dma_start3A_190 = arith.constant 0 : i32
        %dma_start3A_191 = tpu.memref_slice %arg8[%dma_start3A_189, %dma_start3A_190] : memref<10000x16xf32, #tpu.memory_space<vmem_shared>> -> memref<10000x16xf32, #tpu.memory_space<vmem_shared>>
        tpu.enqueue_indirect_dma source(%dma_start3A_185 : memref<80x16xf32, #tpu.memory_space<vmem>>) target(%dma_start3A_191 : memref<10000x16xf32, #tpu.memory_space<vmem_shared>>) offsets(%dma_start3A_188 : memref<80xi32, #tpu.memory_space<vmem>>) semaphore(%run_scoped3A_181 : memref<!tpu.dma_semaphore, #tpu.memory_space<semaphore_mem>>) {add = true}
        %dma_wait3A_192 = arith.constant 0 : i32
        %dma_wait3A_193 = arith.constant 0 : i32
        %dma_wait3A_194 = tpu.memref_slice %arg7[%run_scoped3A_180, %dma_wait3A_192, %dma_wait3A_193] : memref<5x80x16xf32, #tpu.memory_space<vmem>> -> memref<1x80x16xf32, #tpu.memory_space<vmem>>
        %dma_wait3A_195 = tpu.memref_squeeze %dma_wait3A_194 : memref<1x80x16xf32, #tpu.memory_space<vmem>> -> memref<80x16xf32, #tpu.memory_space<vmem>>
        %dma_wait3A_196 = arith.constant 0 : i32
        %dma_wait3A_197 = tpu.memref_slice %arg6[%add3A_179, %dma_wait3A_196] : memref<125x80xi32, #tpu.memory_space<vmem>> -> memref<1x80xi32, #tpu.memory_space<vmem>>
        %dma_wait3A_198 = tpu.memref_squeeze %dma_wait3A_197 : memref<1x80xi32, #tpu.memory_space<vmem>> -> memref<80xi32, #tpu.memory_space<vmem>>
        %dma_wait3A_199 = arith.constant 0 : i32
        %dma_wait3A_200 = arith.constant 0 : i32
        %dma_wait3A_201 = tpu.memref_slice %arg8[%dma_wait3A_199, %dma_wait3A_200] : memref<10000x16xf32, #tpu.memory_space<vmem_shared>> -> memref<10000x16xf32, #tpu.memory_space<vmem_shared>>
        tpu.wait_indirect_dma semaphore(%run_scoped3A_181 : memref<!tpu.dma_semaphore, #tpu.memory_space<semaphore_mem>>) src(%dma_wait3A_195 : memref<80x16xf32, #tpu.memory_space<vmem>>) dst(%dma_wait3A_201 : memref<10000x16xf32, #tpu.memory_space<vmem_shared>>)
        tpu.yield
      }) : () -> ()
    }
    %scan3A_9 = arith.constant 25 : i32
    %barrier3A_10 = arith.constant 0 : index
    tpu.barrier barrier_id(%barrier3A_10)
    "tpu.region"() ({
      %run_scoped3A = tpu.sem_alloc : memref<!tpu.dma_semaphore, #tpu.memory_space<semaphore_mem>>
      %dma_start3A = arith.constant 0 : i32
      %dma_start3A_11 = tpu.memref_slice %arg5[%arg0, %mul3A_4, %dma_start3A] : memref<2x10000x16xf32, #tpu.memory_space<hbm>> -> memref<1x625x16xf32, #tpu.memory_space<hbm>>
      %dma_start3A_12 = tpu.memref_squeeze %dma_start3A_11 : memref<1x625x16xf32, #tpu.memory_space<hbm>> -> memref<625x16xf32, #tpu.memory_space<hbm>>
      %dma_start3A_13 = arith.constant 0 : i32
      %dma_start3A_14 = tpu.memref_slice %arg8[%mul3A_4, %dma_start3A_13] : memref<10000x16xf32, #tpu.memory_space<vmem_shared>> -> memref<625x16xf32, #tpu.memory_space<vmem_shared>>
      tpu.enqueue_dma source(%dma_start3A_14 : memref<625x16xf32, #tpu.memory_space<vmem_shared>>) target(%dma_start3A_12 : memref<625x16xf32, #tpu.memory_space<hbm>>) target_semaphore(%run_scoped3A : memref<!tpu.dma_semaphore, #tpu.memory_space<semaphore_mem>>)
      %dma_wait3A = arith.constant 0 : i32
      %dma_wait3A_15 = tpu.memref_slice %arg5[%arg0, %mul3A_4, %dma_wait3A] : memref<2x10000x16xf32, #tpu.memory_space<hbm>> -> memref<1x625x16xf32, #tpu.memory_space<hbm>>
      %dma_wait3A_16 = tpu.memref_squeeze %dma_wait3A_15 : memref<1x625x16xf32, #tpu.memory_space<hbm>> -> memref<625x16xf32, #tpu.memory_space<hbm>>
      %dma_wait3A_17 = arith.constant 0 : i32
      %dma_wait3A_18 = tpu.memref_slice %arg8[%mul3A_4, %dma_wait3A_17] : memref<10000x16xf32, #tpu.memory_space<vmem_shared>> -> memref<625x16xf32, #tpu.memory_space<vmem_shared>>
      tpu.wait_dma2 semaphore(%run_scoped3A : memref<!tpu.dma_semaphore, #tpu.memory_space<semaphore_mem>>) src(%dma_wait3A_18 : memref<625x16xf32, #tpu.memory_space<vmem_shared>>) dst(%dma_wait3A_16 : memref<625x16xf32, #tpu.memory_space<hbm>>)
      tpu.yield
    }) : () -> ()
    return
  }
}

module attributes {stable_mosaic.version = 14 : i64} {
  func.func @_tc_body(%arg0: i32, %arg1: memref<4000x128xf32, #tpu.memory_space<vmem>>, %arg2: memref<4000x128xf32, #tpu.memory_space<vmem>>, %arg3: memref<4000x8xf32, #tpu.memory_space<vmem>>, %arg4: memref<16x256xbf16, #tpu.memory_space<vmem>>, %arg5: memref<256x256xbf16, #tpu.memory_space<vmem>>, %arg6: memref<16x256xbf16, #tpu.memory_space<vmem>>, %arg7: memref<256x16xbf16, #tpu.memory_space<vmem>>, %arg8: memref<8x128xf32, #tpu.memory_space<vmem>>, %arg9: memref<4000x128xf32, #tpu.memory_space<vmem>>) attributes {dimension_semantics = [#tpu.dimension_semantics<arbitrary>], iteration_bounds = array<i64: 10>, scalar_prefetch = 0 : i64, scratch_operands = 0 : i64, tpu.core_type = #tpu.core_type<tc>, window_params = [{transform_indices = @transform_0, window_bounds = array<i64: 4000, 128>}, {transform_indices = @transform_1, window_bounds = array<i64: 4000, 128>}, {transform_indices = @transform_2, window_bounds = array<i64: 4000, 8>}, {pipeline_mode = #tpu.pipeline_mode<synchronous>, transform_indices = @transform_3, window_bounds = array<i64: 16, 256>}, {pipeline_mode = #tpu.pipeline_mode<synchronous>, transform_indices = @transform_4, window_bounds = array<i64: 256, 256>}, {pipeline_mode = #tpu.pipeline_mode<synchronous>, transform_indices = @transform_5, window_bounds = array<i64: 16, 256>}, {pipeline_mode = #tpu.pipeline_mode<synchronous>, transform_indices = @transform_6, window_bounds = array<i64: 256, 16>}, {pipeline_mode = #tpu.pipeline_mode<synchronous>, transform_indices = @transform_7, window_bounds = array<i64: 8, 128>}, {transform_indices = @transform_8, window_bounds = array<i64: 4000, 128>}]} {
    %get3A = arith.constant 0 : index
    %get3A_0 = arith.constant 0 : index
    %get3A_1 = vector.load %arg4[%get3A, %get3A_0] : memref<16x256xbf16, #tpu.memory_space<vmem>>, vector<16x256xbf16>
    %get3A_2 = arith.constant 0 : index
    %get3A_3 = arith.constant 0 : index
    %get3A_4 = vector.load %arg5[%get3A_2, %get3A_3] : memref<256x256xbf16, #tpu.memory_space<vmem>>, vector<256x256xbf16>
    %get3A_5 = arith.constant 0 : index
    %get3A_6 = arith.constant 0 : index
    %get3A_7 = vector.load %arg6[%get3A_5, %get3A_6] : memref<16x256xbf16, #tpu.memory_space<vmem>>, vector<16x256xbf16>
    %get3A_8 = arith.constant 0 : index
    %get3A_9 = arith.constant 0 : index
    %get3A_10 = vector.load %arg7[%get3A_8, %get3A_9] : memref<256x16xbf16, #tpu.memory_space<vmem>>, vector<256x16xbf16>
    %get3A_11 = arith.constant 0 : index
    %get3A_12 = arith.constant 0 : index
    %get3A_13 = vector.load %arg3[%get3A_11, %get3A_12] : memref<4000x8xf32, #tpu.memory_space<vmem>>, vector<4000x8xf32>
    %get3A_14 = arith.constant 0 : index
    %get3A_15 = arith.constant 0 : index
    %get3A_16 = vector.load %arg8[%get3A_14, %get3A_15] : memref<8x128xf32, #tpu.memory_space<vmem>>, vector<8x128xf32>
    %dot_general3A = arith.constant dense<0.000000e+00> : vector<4000x128xf32>
    %dot_general3A_17 = tpu.matmul %get3A_13, %get3A_16, %dot_general3A {dimension_numbers = #tpu.dot_dimension_numbers<[1], [0], [0], [1], [0, 0, 1, 1], [], []>, transpose_lhs_hint = false} : vector<4000x8xf32>, vector<8x128xf32>, vector<4000x128xf32> -> vector<4000x128xf32>
    %get3A_18 = arith.constant 0 : index
    %get3A_19 = arith.constant 0 : index
    %get3A_20 = vector.load %arg1[%get3A_18, %get3A_19] : memref<4000x128xf32, #tpu.memory_space<vmem>>, vector<4000x16xf32>
    %convert_element_type3A = arith.truncf %get3A_20 : vector<4000x16xf32> to vector<4000x16xbf16>
    %dot_general3A_21 = arith.constant dense<0.000000e+00> : vector<4000x256xf32>
    %dot_general3A_22 = tpu.matmul %convert_element_type3A, %get3A_1, %dot_general3A_21 {dimension_numbers = #tpu.dot_dimension_numbers<[1], [0], [0], [1], [0, 0, 1, 1], [], []>, transpose_lhs_hint = false} : vector<4000x16xbf16>, vector<16x256xbf16>, vector<4000x256xf32> -> vector<4000x256xf32>
    %max3A = arith.constant 0.000000e+00 : f32
    %max3A_23 = vector.broadcast %max3A : f32 to vector<4000x256xf32>
    %max3A_24 = arith.maximumf %dot_general3A_22, %max3A_23 : vector<4000x256xf32>
    %convert_element_type3A_25 = arith.truncf %max3A_24 : vector<4000x256xf32> to vector<4000x256xbf16>
    %dot_general3A_26 = arith.constant dense<0.000000e+00> : vector<4000x256xf32>
    %dot_general3A_27 = tpu.matmul %convert_element_type3A_25, %get3A_4, %dot_general3A_26 {dimension_numbers = #tpu.dot_dimension_numbers<[1], [0], [0], [1], [0, 0, 1, 1], [], []>, transpose_lhs_hint = false} : vector<4000x256xbf16>, vector<256x256xbf16>, vector<4000x256xf32> -> vector<4000x256xf32>
    %get3A_28 = arith.constant 0 : index
    %get3A_29 = arith.constant 0 : index
    %get3A_30 = vector.load %arg2[%get3A_28, %get3A_29] : memref<4000x128xf32, #tpu.memory_space<vmem>>, vector<4000x16xf32>
    %convert_element_type3A_31 = arith.truncf %get3A_30 : vector<4000x16xf32> to vector<4000x16xbf16>
    %dot_general3A_32 = arith.constant dense<0.000000e+00> : vector<4000x256xf32>
    %dot_general3A_33 = tpu.matmul %convert_element_type3A_31, %get3A_7, %dot_general3A_32 {dimension_numbers = #tpu.dot_dimension_numbers<[1], [0], [0], [1], [0, 0, 1, 1], [], []>, transpose_lhs_hint = false} : vector<4000x16xbf16>, vector<16x256xbf16>, vector<4000x256xf32> -> vector<4000x256xf32>
    %mul3A = arith.mulf %dot_general3A_27, %dot_general3A_33 : vector<4000x256xf32>
    %convert_element_type3A_34 = arith.truncf %mul3A : vector<4000x256xf32> to vector<4000x256xbf16>
    %dot_general3A_35 = arith.constant dense<0.000000e+00> : vector<4000x16xf32>
    %dot_general3A_36 = tpu.matmul %convert_element_type3A_34, %get3A_10, %dot_general3A_35 {dimension_numbers = #tpu.dot_dimension_numbers<[1], [0], [0], [1], [0, 0, 1, 1], [], []>, transpose_lhs_hint = false} : vector<4000x256xbf16>, vector<256x16xbf16>, vector<4000x16xf32> -> vector<4000x16xf32>
    %slice3A = vector.extract_strided_slice %dot_general3A_17 {offsets = [0, 0], sizes = [4000, 16], strides = [1, 1]} : vector<4000x128xf32> to vector<4000x16xf32>
    %mul3A_37 = arith.mulf %dot_general3A_36, %slice3A : vector<4000x16xf32>
    %swap3A = arith.constant 0 : index
    %swap3A_38 = arith.constant 0 : index
    %swap3A_39 = vector.load %arg9[%swap3A, %swap3A_38] : memref<4000x128xf32, #tpu.memory_space<vmem>>, vector<4000x16xf32>
    tpu.vector_store %arg9[%swap3A, %swap3A_38], %mul3A_37 {strides = array<i32>} : memref<4000x128xf32, #tpu.memory_space<vmem>>, vector<4000x16xf32>,
    %get3A_40 = arith.constant 0 : index
    %get3A_41 = arith.constant 16 : index
    %get3A_42 = vector.load %arg1[%get3A_40, %get3A_41] : memref<4000x128xf32, #tpu.memory_space<vmem>>, vector<4000x16xf32>
    %convert_element_type3A_43 = arith.truncf %get3A_42 : vector<4000x16xf32> to vector<4000x16xbf16>
    %dot_general3A_44 = arith.constant dense<0.000000e+00> : vector<4000x256xf32>
    %dot_general3A_45 = tpu.matmul %convert_element_type3A_43, %get3A_1, %dot_general3A_44 {dimension_numbers = #tpu.dot_dimension_numbers<[1], [0], [0], [1], [0, 0, 1, 1], [], []>, transpose_lhs_hint = false} : vector<4000x16xbf16>, vector<16x256xbf16>, vector<4000x256xf32> -> vector<4000x256xf32>
    %max3A_46 = arith.constant 0.000000e+00 : f32
    %max3A_47 = vector.broadcast %max3A_46 : f32 to vector<4000x256xf32>
    %max3A_48 = arith.maximumf %dot_general3A_45, %max3A_47 : vector<4000x256xf32>
    %convert_element_type3A_49 = arith.truncf %max3A_48 : vector<4000x256xf32> to vector<4000x256xbf16>
    %dot_general3A_50 = arith.constant dense<0.000000e+00> : vector<4000x256xf32>
    %dot_general3A_51 = tpu.matmul %convert_element_type3A_49, %get3A_4, %dot_general3A_50 {dimension_numbers = #tpu.dot_dimension_numbers<[1], [0], [0], [1], [0, 0, 1, 1], [], []>, transpose_lhs_hint = false} : vector<4000x256xbf16>, vector<256x256xbf16>, vector<4000x256xf32> -> vector<4000x256xf32>
    %get3A_52 = arith.constant 0 : index
    %get3A_53 = arith.constant 16 : index
    %get3A_54 = vector.load %arg2[%get3A_52, %get3A_53] : memref<4000x128xf32, #tpu.memory_space<vmem>>, vector<4000x16xf32>
    %convert_element_type3A_55 = arith.truncf %get3A_54 : vector<4000x16xf32> to vector<4000x16xbf16>
    %dot_general3A_56 = arith.constant dense<0.000000e+00> : vector<4000x256xf32>
    %dot_general3A_57 = tpu.matmul %convert_element_type3A_55, %get3A_7, %dot_general3A_56 {dimension_numbers = #tpu.dot_dimension_numbers<[1], [0], [0], [1], [0, 0, 1, 1], [], []>, transpose_lhs_hint = false} : vector<4000x16xbf16>, vector<16x256xbf16>, vector<4000x256xf32> -> vector<4000x256xf32>
    %mul3A_58 = arith.mulf %dot_general3A_51, %dot_general3A_57 : vector<4000x256xf32>
    %convert_element_type3A_59 = arith.truncf %mul3A_58 : vector<4000x256xf32> to vector<4000x256xbf16>
    %dot_general3A_60 = arith.constant dense<0.000000e+00> : vector<4000x16xf32>
    %dot_general3A_61 = tpu.matmul %convert_element_type3A_59, %get3A_10, %dot_general3A_60 {dimension_numbers = #tpu.dot_dimension_numbers<[1], [0], [0], [1], [0, 0, 1, 1], [], []>, transpose_lhs_hint = false} : vector<4000x256xbf16>, vector<256x16xbf16>, vector<4000x16xf32> -> vector<4000x16xf32>
    %slice3A_62 = vector.extract_strided_slice %dot_general3A_17 {offsets = [0, 16], sizes = [4000, 16], strides = [1, 1]} : vector<4000x128xf32> to vector<4000x16xf32>
    %mul3A_63 = arith.mulf %dot_general3A_61, %slice3A_62 : vector<4000x16xf32>
    %swap3A_64 = arith.constant 0 : index
    %swap3A_65 = arith.constant 16 : index
    %swap3A_66 = vector.load %arg9[%swap3A_64, %swap3A_65] : memref<4000x128xf32, #tpu.memory_space<vmem>>, vector<4000x16xf32>
    tpu.vector_store %arg9[%swap3A_64, %swap3A_65], %mul3A_63 {strides = array<i32>} : memref<4000x128xf32, #tpu.memory_space<vmem>>, vector<4000x16xf32>,
    %get3A_67 = arith.constant 0 : index
    %get3A_68 = arith.constant 32 : index
    %get3A_69 = vector.load %arg1[%get3A_67, %get3A_68] : memref<4000x128xf32, #tpu.memory_space<vmem>>, vector<4000x16xf32>
    %convert_element_type3A_70 = arith.truncf %get3A_69 : vector<4000x16xf32> to vector<4000x16xbf16>
    %dot_general3A_71 = arith.constant dense<0.000000e+00> : vector<4000x256xf32>
    %dot_general3A_72 = tpu.matmul %convert_element_type3A_70, %get3A_1, %dot_general3A_71 {dimension_numbers = #tpu.dot_dimension_numbers<[1], [0], [0], [1], [0, 0, 1, 1], [], []>, transpose_lhs_hint = false} : vector<4000x16xbf16>, vector<16x256xbf16>, vector<4000x256xf32> -> vector<4000x256xf32>
    %max3A_73 = arith.constant 0.000000e+00 : f32
    %max3A_74 = vector.broadcast %max3A_73 : f32 to vector<4000x256xf32>
    %max3A_75 = arith.maximumf %dot_general3A_72, %max3A_74 : vector<4000x256xf32>
    %convert_element_type3A_76 = arith.truncf %max3A_75 : vector<4000x256xf32> to vector<4000x256xbf16>
    %dot_general3A_77 = arith.constant dense<0.000000e+00> : vector<4000x256xf32>
    %dot_general3A_78 = tpu.matmul %convert_element_type3A_76, %get3A_4, %dot_general3A_77 {dimension_numbers = #tpu.dot_dimension_numbers<[1], [0], [0], [1], [0, 0, 1, 1], [], []>, transpose_lhs_hint = false} : vector<4000x256xbf16>, vector<256x256xbf16>, vector<4000x256xf32> -> vector<4000x256xf32>
    %get3A_79 = arith.constant 0 : index
    %get3A_80 = arith.constant 32 : index
    %get3A_81 = vector.load %arg2[%get3A_79, %get3A_80] : memref<4000x128xf32, #tpu.memory_space<vmem>>, vector<4000x16xf32>
    %convert_element_type3A_82 = arith.truncf %get3A_81 : vector<4000x16xf32> to vector<4000x16xbf16>
    %dot_general3A_83 = arith.constant dense<0.000000e+00> : vector<4000x256xf32>
    %dot_general3A_84 = tpu.matmul %convert_element_type3A_82, %get3A_7, %dot_general3A_83 {dimension_numbers = #tpu.dot_dimension_numbers<[1], [0], [0], [1], [0, 0, 1, 1], [], []>, transpose_lhs_hint = false} : vector<4000x16xbf16>, vector<16x256xbf16>, vector<4000x256xf32> -> vector<4000x256xf32>
    %mul3A_85 = arith.mulf %dot_general3A_78, %dot_general3A_84 : vector<4000x256xf32>
    %convert_element_type3A_86 = arith.truncf %mul3A_85 : vector<4000x256xf32> to vector<4000x256xbf16>
    %dot_general3A_87 = arith.constant dense<0.000000e+00> : vector<4000x16xf32>
    %dot_general3A_88 = tpu.matmul %convert_element_type3A_86, %get3A_10, %dot_general3A_87 {dimension_numbers = #tpu.dot_dimension_numbers<[1], [0], [0], [1], [0, 0, 1, 1], [], []>, transpose_lhs_hint = false} : vector<4000x256xbf16>, vector<256x16xbf16>, vector<4000x16xf32> -> vector<4000x16xf32>
    %slice3A_89 = vector.extract_strided_slice %dot_general3A_17 {offsets = [0, 32], sizes = [4000, 16], strides = [1, 1]} : vector<4000x128xf32> to vector<4000x16xf32>
    %mul3A_90 = arith.mulf %dot_general3A_88, %slice3A_89 : vector<4000x16xf32>
    %swap3A_91 = arith.constant 0 : index
    %swap3A_92 = arith.constant 32 : index
    %swap3A_93 = vector.load %arg9[%swap3A_91, %swap3A_92] : memref<4000x128xf32, #tpu.memory_space<vmem>>, vector<4000x16xf32>
    tpu.vector_store %arg9[%swap3A_91, %swap3A_92], %mul3A_90 {strides = array<i32>} : memref<4000x128xf32, #tpu.memory_space<vmem>>, vector<4000x16xf32>,
    %get3A_94 = arith.constant 0 : index
    %get3A_95 = arith.constant 48 : index
    %get3A_96 = vector.load %arg1[%get3A_94, %get3A_95] : memref<4000x128xf32, #tpu.memory_space<vmem>>, vector<4000x16xf32>
    %convert_element_type3A_97 = arith.truncf %get3A_96 : vector<4000x16xf32> to vector<4000x16xbf16>
    %dot_general3A_98 = arith.constant dense<0.000000e+00> : vector<4000x256xf32>
    %dot_general3A_99 = tpu.matmul %convert_element_type3A_97, %get3A_1, %dot_general3A_98 {dimension_numbers = #tpu.dot_dimension_numbers<[1], [0], [0], [1], [0, 0, 1, 1], [], []>, transpose_lhs_hint = false} : vector<4000x16xbf16>, vector<16x256xbf16>, vector<4000x256xf32> -> vector<4000x256xf32>
    %max3A_100 = arith.constant 0.000000e+00 : f32
    %max3A_101 = vector.broadcast %max3A_100 : f32 to vector<4000x256xf32>
    %max3A_102 = arith.maximumf %dot_general3A_99, %max3A_101 : vector<4000x256xf32>
    %convert_element_type3A_103 = arith.truncf %max3A_102 : vector<4000x256xf32> to vector<4000x256xbf16>
    %dot_general3A_104 = arith.constant dense<0.000000e+00> : vector<4000x256xf32>
    %dot_general3A_105 = tpu.matmul %convert_element_type3A_103, %get3A_4, %dot_general3A_104 {dimension_numbers = #tpu.dot_dimension_numbers<[1], [0], [0], [1], [0, 0, 1, 1], [], []>, transpose_lhs_hint = false} : vector<4000x256xbf16>, vector<256x256xbf16>, vector<4000x256xf32> -> vector<4000x256xf32>
    %get3A_106 = arith.constant 0 : index
    %get3A_107 = arith.constant 48 : index
    %get3A_108 = vector.load %arg2[%get3A_106, %get3A_107] : memref<4000x128xf32, #tpu.memory_space<vmem>>, vector<4000x16xf32>
    %convert_element_type3A_109 = arith.truncf %get3A_108 : vector<4000x16xf32> to vector<4000x16xbf16>
    %dot_general3A_110 = arith.constant dense<0.000000e+00> : vector<4000x256xf32>
    %dot_general3A_111 = tpu.matmul %convert_element_type3A_109, %get3A_7, %dot_general3A_110 {dimension_numbers = #tpu.dot_dimension_numbers<[1], [0], [0], [1], [0, 0, 1, 1], [], []>, transpose_lhs_hint = false} : vector<4000x16xbf16>, vector<16x256xbf16>, vector<4000x256xf32> -> vector<4000x256xf32>
    %mul3A_112 = arith.mulf %dot_general3A_105, %dot_general3A_111 : vector<4000x256xf32>
    %convert_element_type3A_113 = arith.truncf %mul3A_112 : vector<4000x256xf32> to vector<4000x256xbf16>
    %dot_general3A_114 = arith.constant dense<0.000000e+00> : vector<4000x16xf32>
    %dot_general3A_115 = tpu.matmul %convert_element_type3A_113, %get3A_10, %dot_general3A_114 {dimension_numbers = #tpu.dot_dimension_numbers<[1], [0], [0], [1], [0, 0, 1, 1], [], []>, transpose_lhs_hint = false} : vector<4000x256xbf16>, vector<256x16xbf16>, vector<4000x16xf32> -> vector<4000x16xf32>
    %slice3A_116 = vector.extract_strided_slice %dot_general3A_17 {offsets = [0, 48], sizes = [4000, 16], strides = [1, 1]} : vector<4000x128xf32> to vector<4000x16xf32>
    %mul3A_117 = arith.mulf %dot_general3A_115, %slice3A_116 : vector<4000x16xf32>
    %swap3A_118 = arith.constant 0 : index
    %swap3A_119 = arith.constant 48 : index
    %swap3A_120 = vector.load %arg9[%swap3A_118, %swap3A_119] : memref<4000x128xf32, #tpu.memory_space<vmem>>, vector<4000x16xf32>
    tpu.vector_store %arg9[%swap3A_118, %swap3A_119], %mul3A_117 {strides = array<i32>} : memref<4000x128xf32, #tpu.memory_space<vmem>>, vector<4000x16xf32>,
    %get3A_121 = arith.constant 0 : index
    %get3A_122 = arith.constant 64 : index
    %get3A_123 = vector.load %arg1[%get3A_121, %get3A_122] : memref<4000x128xf32, #tpu.memory_space<vmem>>, vector<4000x16xf32>
    %convert_element_type3A_124 = arith.truncf %get3A_123 : vector<4000x16xf32> to vector<4000x16xbf16>
    %dot_general3A_125 = arith.constant dense<0.000000e+00> : vector<4000x256xf32>
    %dot_general3A_126 = tpu.matmul %convert_element_type3A_124, %get3A_1, %dot_general3A_125 {dimension_numbers = #tpu.dot_dimension_numbers<[1], [0], [0], [1], [0, 0, 1, 1], [], []>, transpose_lhs_hint = false} : vector<4000x16xbf16>, vector<16x256xbf16>, vector<4000x256xf32> -> vector<4000x256xf32>
    %max3A_127 = arith.constant 0.000000e+00 : f32
    %max3A_128 = vector.broadcast %max3A_127 : f32 to vector<4000x256xf32>
    %max3A_129 = arith.maximumf %dot_general3A_126, %max3A_128 : vector<4000x256xf32>
    %convert_element_type3A_130 = arith.truncf %max3A_129 : vector<4000x256xf32> to vector<4000x256xbf16>
    %dot_general3A_131 = arith.constant dense<0.000000e+00> : vector<4000x256xf32>
    %dot_general3A_132 = tpu.matmul %convert_element_type3A_130, %get3A_4, %dot_general3A_131 {dimension_numbers = #tpu.dot_dimension_numbers<[1], [0], [0], [1], [0, 0, 1, 1], [], []>, transpose_lhs_hint = false} : vector<4000x256xbf16>, vector<256x256xbf16>, vector<4000x256xf32> -> vector<4000x256xf32>
    %get3A_133 = arith.constant 0 : index
    %get3A_134 = arith.constant 64 : index
    %get3A_135 = vector.load %arg2[%get3A_133, %get3A_134] : memref<4000x128xf32, #tpu.memory_space<vmem>>, vector<4000x16xf32>
    %convert_element_type3A_136 = arith.truncf %get3A_135 : vector<4000x16xf32> to vector<4000x16xbf16>
    %dot_general3A_137 = arith.constant dense<0.000000e+00> : vector<4000x256xf32>
    %dot_general3A_138 = tpu.matmul %convert_element_type3A_136, %get3A_7, %dot_general3A_137 {dimension_numbers = #tpu.dot_dimension_numbers<[1], [0], [0], [1], [0, 0, 1, 1], [], []>, transpose_lhs_hint = false} : vector<4000x16xbf16>, vector<16x256xbf16>, vector<4000x256xf32> -> vector<4000x256xf32>
    %mul3A_139 = arith.mulf %dot_general3A_132, %dot_general3A_138 : vector<4000x256xf32>
    %convert_element_type3A_140 = arith.truncf %mul3A_139 : vector<4000x256xf32> to vector<4000x256xbf16>
    %dot_general3A_141 = arith.constant dense<0.000000e+00> : vector<4000x16xf32>
    %dot_general3A_142 = tpu.matmul %convert_element_type3A_140, %get3A_10, %dot_general3A_141 {dimension_numbers = #tpu.dot_dimension_numbers<[1], [0], [0], [1], [0, 0, 1, 1], [], []>, transpose_lhs_hint = false} : vector<4000x256xbf16>, vector<256x16xbf16>, vector<4000x16xf32> -> vector<4000x16xf32>
    %slice3A_143 = vector.extract_strided_slice %dot_general3A_17 {offsets = [0, 64], sizes = [4000, 16], strides = [1, 1]} : vector<4000x128xf32> to vector<4000x16xf32>
    %mul3A_144 = arith.mulf %dot_general3A_142, %slice3A_143 : vector<4000x16xf32>
    %swap3A_145 = arith.constant 0 : index
    %swap3A_146 = arith.constant 64 : index
    %swap3A_147 = vector.load %arg9[%swap3A_145, %swap3A_146] : memref<4000x128xf32, #tpu.memory_space<vmem>>, vector<4000x16xf32>
    tpu.vector_store %arg9[%swap3A_145, %swap3A_146], %mul3A_144 {strides = array<i32>} : memref<4000x128xf32, #tpu.memory_space<vmem>>, vector<4000x16xf32>,
    %get3A_148 = arith.constant 0 : index
    %get3A_149 = arith.constant 80 : index
    %get3A_150 = vector.load %arg1[%get3A_148, %get3A_149] : memref<4000x128xf32, #tpu.memory_space<vmem>>, vector<4000x16xf32>
    %convert_element_type3A_151 = arith.truncf %get3A_150 : vector<4000x16xf32> to vector<4000x16xbf16>
    %dot_general3A_152 = arith.constant dense<0.000000e+00> : vector<4000x256xf32>
    %dot_general3A_153 = tpu.matmul %convert_element_type3A_151, %get3A_1, %dot_general3A_152 {dimension_numbers = #tpu.dot_dimension_numbers<[1], [0], [0], [1], [0, 0, 1, 1], [], []>, transpose_lhs_hint = false} : vector<4000x16xbf16>, vector<16x256xbf16>, vector<4000x256xf32> -> vector<4000x256xf32>
    %max3A_154 = arith.constant 0.000000e+00 : f32
    %max3A_155 = vector.broadcast %max3A_154 : f32 to vector<4000x256xf32>
    %max3A_156 = arith.maximumf %dot_general3A_153, %max3A_155 : vector<4000x256xf32>
    %convert_element_type3A_157 = arith.truncf %max3A_156 : vector<4000x256xf32> to vector<4000x256xbf16>
    %dot_general3A_158 = arith.constant dense<0.000000e+00> : vector<4000x256xf32>
    %dot_general3A_159 = tpu.matmul %convert_element_type3A_157, %get3A_4, %dot_general3A_158 {dimension_numbers = #tpu.dot_dimension_numbers<[1], [0], [0], [1], [0, 0, 1, 1], [], []>, transpose_lhs_hint = false} : vector<4000x256xbf16>, vector<256x256xbf16>, vector<4000x256xf32> -> vector<4000x256xf32>
    %get3A_160 = arith.constant 0 : index
    %get3A_161 = arith.constant 80 : index
    %get3A_162 = vector.load %arg2[%get3A_160, %get3A_161] : memref<4000x128xf32, #tpu.memory_space<vmem>>, vector<4000x16xf32>
    %convert_element_type3A_163 = arith.truncf %get3A_162 : vector<4000x16xf32> to vector<4000x16xbf16>
    %dot_general3A_164 = arith.constant dense<0.000000e+00> : vector<4000x256xf32>
    %dot_general3A_165 = tpu.matmul %convert_element_type3A_163, %get3A_7, %dot_general3A_164 {dimension_numbers = #tpu.dot_dimension_numbers<[1], [0], [0], [1], [0, 0, 1, 1], [], []>, transpose_lhs_hint = false} : vector<4000x16xbf16>, vector<16x256xbf16>, vector<4000x256xf32> -> vector<4000x256xf32>
    %mul3A_166 = arith.mulf %dot_general3A_159, %dot_general3A_165 : vector<4000x256xf32>
    %convert_element_type3A_167 = arith.truncf %mul3A_166 : vector<4000x256xf32> to vector<4000x256xbf16>
    %dot_general3A_168 = arith.constant dense<0.000000e+00> : vector<4000x16xf32>
    %dot_general3A_169 = tpu.matmul %convert_element_type3A_167, %get3A_10, %dot_general3A_168 {dimension_numbers = #tpu.dot_dimension_numbers<[1], [0], [0], [1], [0, 0, 1, 1], [], []>, transpose_lhs_hint = false} : vector<4000x256xbf16>, vector<256x16xbf16>, vector<4000x16xf32> -> vector<4000x16xf32>
    %slice3A_170 = vector.extract_strided_slice %dot_general3A_17 {offsets = [0, 80], sizes = [4000, 16], strides = [1, 1]} : vector<4000x128xf32> to vector<4000x16xf32>
    %mul3A_171 = arith.mulf %dot_general3A_169, %slice3A_170 : vector<4000x16xf32>
    %swap3A_172 = arith.constant 0 : index
    %swap3A_173 = arith.constant 80 : index
    %swap3A_174 = vector.load %arg9[%swap3A_172, %swap3A_173] : memref<4000x128xf32, #tpu.memory_space<vmem>>, vector<4000x16xf32>
    tpu.vector_store %arg9[%swap3A_172, %swap3A_173], %mul3A_171 {strides = array<i32>} : memref<4000x128xf32, #tpu.memory_space<vmem>>, vector<4000x16xf32>,
    %get3A_175 = arith.constant 0 : index
    %get3A_176 = arith.constant 96 : index
    %get3A_177 = vector.load %arg1[%get3A_175, %get3A_176] : memref<4000x128xf32, #tpu.memory_space<vmem>>, vector<4000x16xf32>
    %convert_element_type3A_178 = arith.truncf %get3A_177 : vector<4000x16xf32> to vector<4000x16xbf16>
    %dot_general3A_179 = arith.constant dense<0.000000e+00> : vector<4000x256xf32>
    %dot_general3A_180 = tpu.matmul %convert_element_type3A_178, %get3A_1, %dot_general3A_179 {dimension_numbers = #tpu.dot_dimension_numbers<[1], [0], [0], [1], [0, 0, 1, 1], [], []>, transpose_lhs_hint = false} : vector<4000x16xbf16>, vector<16x256xbf16>, vector<4000x256xf32> -> vector<4000x256xf32>
    %max3A_181 = arith.constant 0.000000e+00 : f32
    %max3A_182 = vector.broadcast %max3A_181 : f32 to vector<4000x256xf32>
    %max3A_183 = arith.maximumf %dot_general3A_180, %max3A_182 : vector<4000x256xf32>
    %convert_element_type3A_184 = arith.truncf %max3A_183 : vector<4000x256xf32> to vector<4000x256xbf16>
    %dot_general3A_185 = arith.constant dense<0.000000e+00> : vector<4000x256xf32>
    %dot_general3A_186 = tpu.matmul %convert_element_type3A_184, %get3A_4, %dot_general3A_185 {dimension_numbers = #tpu.dot_dimension_numbers<[1], [0], [0], [1], [0, 0, 1, 1], [], []>, transpose_lhs_hint = false} : vector<4000x256xbf16>, vector<256x256xbf16>, vector<4000x256xf32> -> vector<4000x256xf32>
    %get3A_187 = arith.constant 0 : index
    %get3A_188 = arith.constant 96 : index
    %get3A_189 = vector.load %arg2[%get3A_187, %get3A_188] : memref<4000x128xf32, #tpu.memory_space<vmem>>, vector<4000x16xf32>
    %convert_element_type3A_190 = arith.truncf %get3A_189 : vector<4000x16xf32> to vector<4000x16xbf16>
    %dot_general3A_191 = arith.constant dense<0.000000e+00> : vector<4000x256xf32>
    %dot_general3A_192 = tpu.matmul %convert_element_type3A_190, %get3A_7, %dot_general3A_191 {dimension_numbers = #tpu.dot_dimension_numbers<[1], [0], [0], [1], [0, 0, 1, 1], [], []>, transpose_lhs_hint = false} : vector<4000x16xbf16>, vector<16x256xbf16>, vector<4000x256xf32> -> vector<4000x256xf32>
    %mul3A_193 = arith.mulf %dot_general3A_186, %dot_general3A_192 : vector<4000x256xf32>
    %convert_element_type3A_194 = arith.truncf %mul3A_193 : vector<4000x256xf32> to vector<4000x256xbf16>
    %dot_general3A_195 = arith.constant dense<0.000000e+00> : vector<4000x16xf32>
    %dot_general3A_196 = tpu.matmul %convert_element_type3A_194, %get3A_10, %dot_general3A_195 {dimension_numbers = #tpu.dot_dimension_numbers<[1], [0], [0], [1], [0, 0, 1, 1], [], []>, transpose_lhs_hint = false} : vector<4000x256xbf16>, vector<256x16xbf16>, vector<4000x16xf32> -> vector<4000x16xf32>
    %slice3A_197 = vector.extract_strided_slice %dot_general3A_17 {offsets = [0, 96], sizes = [4000, 16], strides = [1, 1]} : vector<4000x128xf32> to vector<4000x16xf32>
    %mul3A_198 = arith.mulf %dot_general3A_196, %slice3A_197 : vector<4000x16xf32>
    %swap3A_199 = arith.constant 0 : index
    %swap3A_200 = arith.constant 96 : index
    %swap3A_201 = vector.load %arg9[%swap3A_199, %swap3A_200] : memref<4000x128xf32, #tpu.memory_space<vmem>>, vector<4000x16xf32>
    tpu.vector_store %arg9[%swap3A_199, %swap3A_200], %mul3A_198 {strides = array<i32>} : memref<4000x128xf32, #tpu.memory_space<vmem>>, vector<4000x16xf32>,
    %get3A_202 = arith.constant 0 : index
    %get3A_203 = arith.constant 112 : index
    %get3A_204 = vector.load %arg1[%get3A_202, %get3A_203] : memref<4000x128xf32, #tpu.memory_space<vmem>>, vector<4000x16xf32>
    %convert_element_type3A_205 = arith.truncf %get3A_204 : vector<4000x16xf32> to vector<4000x16xbf16>
    %dot_general3A_206 = arith.constant dense<0.000000e+00> : vector<4000x256xf32>
    %dot_general3A_207 = tpu.matmul %convert_element_type3A_205, %get3A_1, %dot_general3A_206 {dimension_numbers = #tpu.dot_dimension_numbers<[1], [0], [0], [1], [0, 0, 1, 1], [], []>, transpose_lhs_hint = false} : vector<4000x16xbf16>, vector<16x256xbf16>, vector<4000x256xf32> -> vector<4000x256xf32>
    %max3A_208 = arith.constant 0.000000e+00 : f32
    %max3A_209 = vector.broadcast %max3A_208 : f32 to vector<4000x256xf32>
    %max3A_210 = arith.maximumf %dot_general3A_207, %max3A_209 : vector<4000x256xf32>
    %convert_element_type3A_211 = arith.truncf %max3A_210 : vector<4000x256xf32> to vector<4000x256xbf16>
    %dot_general3A_212 = arith.constant dense<0.000000e+00> : vector<4000x256xf32>
    %dot_general3A_213 = tpu.matmul %convert_element_type3A_211, %get3A_4, %dot_general3A_212 {dimension_numbers = #tpu.dot_dimension_numbers<[1], [0], [0], [1], [0, 0, 1, 1], [], []>, transpose_lhs_hint = false} : vector<4000x256xbf16>, vector<256x256xbf16>, vector<4000x256xf32> -> vector<4000x256xf32>
    %get3A_214 = arith.constant 0 : index
    %get3A_215 = arith.constant 112 : index
    %get3A_216 = vector.load %arg2[%get3A_214, %get3A_215] : memref<4000x128xf32, #tpu.memory_space<vmem>>, vector<4000x16xf32>
    %convert_element_type3A_217 = arith.truncf %get3A_216 : vector<4000x16xf32> to vector<4000x16xbf16>
    %dot_general3A_218 = arith.constant dense<0.000000e+00> : vector<4000x256xf32>
    %dot_general3A_219 = tpu.matmul %convert_element_type3A_217, %get3A_7, %dot_general3A_218 {dimension_numbers = #tpu.dot_dimension_numbers<[1], [0], [0], [1], [0, 0, 1, 1], [], []>, transpose_lhs_hint = false} : vector<4000x16xbf16>, vector<16x256xbf16>, vector<4000x256xf32> -> vector<4000x256xf32>
    %mul3A_220 = arith.mulf %dot_general3A_213, %dot_general3A_219 : vector<4000x256xf32>
    %convert_element_type3A_221 = arith.truncf %mul3A_220 : vector<4000x256xf32> to vector<4000x256xbf16>
    %dot_general3A_222 = arith.constant dense<0.000000e+00> : vector<4000x16xf32>
    %dot_general3A_223 = tpu.matmul %convert_element_type3A_221, %get3A_10, %dot_general3A_222 {dimension_numbers = #tpu.dot_dimension_numbers<[1], [0], [0], [1], [0, 0, 1, 1], [], []>, transpose_lhs_hint = false} : vector<4000x256xbf16>, vector<256x16xbf16>, vector<4000x16xf32> -> vector<4000x16xf32>
    %slice3A_224 = vector.extract_strided_slice %dot_general3A_17 {offsets = [0, 112], sizes = [4000, 16], strides = [1, 1]} : vector<4000x128xf32> to vector<4000x16xf32>
    %mul3A_225 = arith.mulf %dot_general3A_223, %slice3A_224 : vector<4000x16xf32>
    %swap3A_226 = arith.constant 0 : index
    %swap3A_227 = arith.constant 112 : index
    %swap3A_228 = vector.load %arg9[%swap3A_226, %swap3A_227] : memref<4000x128xf32, #tpu.memory_space<vmem>>, vector<4000x16xf32>
    tpu.vector_store %arg9[%swap3A_226, %swap3A_227], %mul3A_225 {strides = array<i32>} : memref<4000x128xf32, #tpu.memory_space<vmem>>, vector<4000x16xf32>,
    return
  }
  func.func @transform_0(%arg0: i32) -> (i32, i32) {
    %c0_i32 = arith.constant 0 : i32
    %c0_i32_0 = arith.constant 0 : i32
    return %arg0, %c0_i32 : i32, i32
  }
  func.func @transform_1(%arg0: i32) -> (i32, i32) {
    %c0_i32 = arith.constant 0 : i32
    %c0_i32_0 = arith.constant 0 : i32
    return %arg0, %c0_i32 : i32, i32
  }
  func.func @transform_2(%arg0: i32) -> (i32, i32) {
    %c0_i32 = arith.constant 0 : i32
    %c0_i32_0 = arith.constant 0 : i32
    return %arg0, %c0_i32 : i32, i32
  }
  func.func @transform_3(%arg0: i32) -> (i32, i32) {
    %c0_i32 = arith.constant 0 : i32
    %c0_i32_0 = arith.constant 0 : i32
    %c0_i32_1 = arith.constant 0 : i32
    return %c0_i32, %c0_i32_0 : i32, i32
  }
  func.func @transform_4(%arg0: i32) -> (i32, i32) {
    %c0_i32 = arith.constant 0 : i32
    %c0_i32_0 = arith.constant 0 : i32
    %c0_i32_1 = arith.constant 0 : i32
    return %c0_i32, %c0_i32_0 : i32, i32
  }
  func.func @transform_5(%arg0: i32) -> (i32, i32) {
    %c0_i32 = arith.constant 0 : i32
    %c0_i32_0 = arith.constant 0 : i32
    %c0_i32_1 = arith.constant 0 : i32
    return %c0_i32, %c0_i32_0 : i32, i32
  }
  func.func @transform_6(%arg0: i32) -> (i32, i32) {
    %c0_i32 = arith.constant 0 : i32
    %c0_i32_0 = arith.constant 0 : i32
    %c0_i32_1 = arith.constant 0 : i32
    return %c0_i32, %c0_i32_0 : i32, i32
  }
  func.func @transform_7(%arg0: i32) -> (i32, i32) {
    %c0_i32 = arith.constant 0 : i32
    %c0_i32_0 = arith.constant 0 : i32
    %c0_i32_1 = arith.constant 0 : i32
    return %c0_i32, %c0_i32_0 : i32, i32
  }
  func.func @transform_8(%arg0: i32) -> (i32, i32) {
    %c0_i32 = arith.constant 0 : i32
    %c0_i32_0 = arith.constant 0 : i32
    return %arg0, %c0_i32 : i32, i32
  }
}

module attributes {stable_mosaic.version = 14 : i64} {
  func.func @_combine_body(%arg0: memref<2x10000x16xf32, #tpu.memory_space<vmem>>, %arg1: memref<10000x16xf32, #tpu.memory_space<vmem>>) attributes {dimension_semantics = [], scalar_prefetch = 0 : i64, scratch_operands = 0 : i64, tpu.core_type = #tpu.core_type<tc>} {
    %get3A = arith.constant 0 : index
    %get3A_0 = arith.constant 0 : index
    %get3A_1 = arith.constant 0 : index
    %get3A_2 = vector.load %arg0[%get3A, %get3A_0, %get3A_1] : memref<2x10000x16xf32, #tpu.memory_space<vmem>>, vector<1x10000x16xf32>
    %get3A_3 = vector.shape_cast %get3A_2 : vector<1x10000x16xf32> to vector<10000x16xf32>
    %get3A_4 = arith.constant 1 : index
    %get3A_5 = arith.constant 0 : index
    %get3A_6 = arith.constant 0 : index
    %get3A_7 = vector.load %arg0[%get3A_4, %get3A_5, %get3A_6] : memref<2x10000x16xf32, #tpu.memory_space<vmem>>, vector<1x10000x16xf32>
    %get3A_8 = vector.shape_cast %get3A_7 : vector<1x10000x16xf32> to vector<10000x16xf32>
    %add3A = arith.addf %get3A_3, %get3A_8 : vector<10000x16xf32>
    %swap3A = arith.constant 0 : index
    %swap3A_9 = arith.constant 0 : index
    %swap3A_10 = vector.load %arg1[%swap3A, %swap3A_9] : memref<10000x16xf32, #tpu.memory_space<vmem>>, vector<10000x16xf32>
    tpu.vector_store %arg1[%swap3A, %swap3A_9], %add3A {strides = array<i32>} : memref<10000x16xf32, #tpu.memory_space<vmem>>, vector<10000x16xf32>,
    return
  }
}

</mosaic_0001>

<sc_bundles>
// kernel: kernel.6.cloned.1.call-start
scs
__scs_entry_jumppad:
0x0: {  	(pc) =	sbr.rel $0x88, $3  }
0x1: {  	(tag) =	ssettag $0x0;
	lr =	simm.s32 $0x1  }
0x2: {  	[smem:$0x3F9A] =	sst lr;
	_ =	strace $0xD0000000  }
0x3: {  	_ = 	snop  }
0x4: {  	_ = 	snop  }
0x5: {  	_ = 	snop  }
0x6: {  	_ = 	snop  }
0x7: {  	_ = 	snop  }
__scs_overlays_trampoline_lowered:
0x8: {  	[smem:$0x3FA9] =	sst s0  }
0x9: {  	[smem:$0x3FAA] =	sst s1  }
0xa: {  	[smem:$0x3FAB] =	sst s2  }
0xb: {  	[smem:$0x3FAC] =	sst s3  }
0xc: {  	[smem:$0x3FAD] =	sst s4  }
0xd: {  	[smem:$0x3FAE] =	sst s5  }
0xe: {  	[smem:$0x3FAF] =	sst s6  }
0xf: {  	[smem:$0x3FB0] =	sst s7  }
0x10: {  	[smem:$0x3FB1] =	sst s8  }
0x11: {  	[smem:$0x3FB2] =	sst s9;
	s0 =	simm.s32 @!p0 $0x0  }
0x12: {  	s1 =	sld [smem:$0x3F98];
	s0 =	simm.s32 @p0 $0x1  }
0x13: {  	[smem:$0x3FB3] =	sst s0;
	s0 =	simm.s32 @!p1 $0x0  }
0x14: {  	s2 =	sld [smem:$0x3F97];
	s0 =	simm.s32 @p1 $0x1  }
0x15: {  	[smem:$0x3FB4] =	sst s0;
	s0 =	simm.s32 @!p2 $0x0  }
0x16: {  	s3 =	sld [smem:$0x3FDB];
	s0 =	simm.s32 @p2 $0x1  }
0x17: {  	s4 =	simm.s32 $0x1BF5;
	[smem:$0x3FB6] =	sst s0  }
0x18: {  	s0 =	sld [smem:$0x3F99];
	_ =	swait.ge [sflag:s4], $0x0  }
0x19: {  	s7 =	sld [smem:$0x3F9A]  }
0x1a: {  	s8 =	sadd.s32 $0xFFFFE003, lr  }
0x1b: {  	s9 =	sadd.s32 $0xFFFFFEF7, lr;
	s5 =	simm.s32 $0xFFFFFFFF;
	p2 =	slt.u32 s8, $0xFFFFF086  }
0x1c: {  	p1 =	slt.u32 s9, $0xF7A;
	s5 =	simm.s32 @!p2 $0x0  }
0x1d: {  	s5 =	simm.s32 @p1 $0x1;
	p0 =	seq.s32 s7, s2  }
0x1e: {  	s7 =	smul.u32 @!p0 $0xF7A, s2;
	p2 =	seq.s32 @!p0 s5, $0x0  }
0x1f: {  	s9 =	smul.u32 $0xF7A, s1;
	s8 =	simm.s32 @!p0 $0x1BF5;
	p2 =	por !p2, p0  }
0x20: {  	[sflag:s8] =	ssyncset.s32 @!p0 $0xFFFFF086;
	s6 =	sadd.s32 @!p0 s3, s7;
	s7 =	simm.s32 @!p0 $0x108  }
0x21: {  	s3 =	sadd.s32 s3, s9;
	s6 =	sadd.s32 @!p0 $0x88, s6;
	s7 =	simm.s32 @p2 $0x1082  }
0x22: {  	[simem:s7], [sflag:s8] =	dma.local @!p0 [hbm:s6], $0xF7A  }
0x23: {  	s9 =	sor.u32 $0xD0000000, s2;
	s6 =	simm.s32 $0x108;
	_ =	swait.ge @!p0 [sflag:s8], $0x0  }
0x24: {  	s3 =	sadd.s32 $0x88, s3;
	s6 =	simm.s32 @!p1 $0x1082;
	[sflag:s4] =	ssyncset.s32 $0xFFFFF086  }
0x25: {  	[simem:s6], [sflag:s4] =	dma.local [hbm:s3], $0xF7A  }
0x26: {  	[smem:$0x3F9A] =	sst s1;
	(tag) =	ssettag s2;
	_ =	strace s9  }
0x27: {  	s1 =	sld [smem:$0x3FAA]  }
0x28: {  	s2 =	sld [smem:$0x3FAB]  }
0x29: {  	s4 =	sld [smem:$0x3FAD]  }
0x2a: {  	p0 =	seq.s32 s5, $0x0;
	s5 =	sld [smem:$0x3FAE]  }
0x2b: {  	s6 =	sld [smem:$0x3FAF]  }
0x2c: {  	s7 =	sld [smem:$0x3FB0]  }
0x2d: {  	s3 =	simm.s32 $0x108;
	s8 =	sld [smem:$0x3FB1]  }
0x2e: {  	s3 =	simm.s32 @!p0 $0x1082;
	s9 =	sld [smem:$0x3FB2]  }
0x2f: {  	lr =	sadd.s32 s0, s3;
	s0 =	sld [smem:$0x3FA9]  }
0x30: {  	s3 =	sld [smem:$0x3FAC]  }
0x31: {  	[smem:$0x3FB5] =	sst s10  }
0x32: {  	s10 =	sld [smem:$0x3FB3];
	_ =	sdelay $0x3  }
0x33: {  	p0 =	seq.s32 s10, $0x1;
	s10 =	sld [smem:$0x3FB5];
	_ =	sdelay $0x3  }
0x34: {  	[smem:$0x3FB5] =	sst s10  }
0x35: {  	s10 =	sld [smem:$0x3FB4];
	_ =	sdelay $0x3  }
0x36: {  	p1 =	seq.s32 s10, $0x1;
	s10 =	sld [smem:$0x3FB5];
	_ =	sdelay $0x3  }
0x37: {  	[smem:$0x3FB5] =	sst s10  }
0x38: {  	s10 =	sld [smem:$0x3FB6]  }
0x39: {  	_ = 	snop;
	(pc) =	sbr.ind lr, $3  }
0x3a: {  	_ = 	snop  }
0x3b: {  	_ = 	snop  }
0x3c: {  	p2 =	seq.s32 s10, $0x1;
	s10 =	sld [smem:$0x3FB5]  }
0x3d: {  	_ =	shalt  }
0x3e: {  	_ =	shalt  }
0x3f: {  	_ =	shalt  }
0x40: {  	_ =	shalt  }
0x41: {  	_ =	shalt  }
0x42: {  	_ =	shalt  }
0x43: {  	_ =	shalt  }
0x44: {  	_ =	shalt  }
0x45: {  	_ =	shalt  }
0x46: {  	_ =	shalt  }
0x47: {  	_ =	shalt  }
0x48: {  	_ =	shalt  }
0x49: {  	_ =	shalt  }
0x4a: {  	_ =	shalt  }
0x4b: {  	_ =	shalt  }
0x4c: {  	_ =	shalt  }
0x4d: {  	_ =	shalt  }
0x4e: {  	_ =	shalt  }
0x4f: {  	_ =	shalt  }
0x50: {  	_ =	shalt  }
0x51: {  	_ =	shalt  }
0x52: {  	_ =	shalt  }
0x53: {  	_ =	shalt  }
0x54: {  	_ =	shalt  }
0x55: {  	_ =	shalt  }
0x56: {  	_ =	shalt  }
0x57: {  	_ =	shalt  }
0x58: {  	_ =	shalt  }
0x59: {  	_ =	shalt  }
0x5a: {  	_ =	shalt  }
0x5b: {  	_ =	shalt  }
0x5c: {  	_ =	shalt  }
0x5d: {  	_ =	shalt  }
0x5e: {  	_ =	shalt  }
0x5f: {  	_ =	shalt  }
0x60: {  	_ =	shalt  }
0x61: {  	_ =	shalt  }
0x62: {  	_ =	shalt  }
0x63: {  	_ =	shalt  }
0x64: {  	_ =	shalt  }
0x65: {  	_ =	shalt  }
0x66: {  	_ =	shalt  }
0x67: {  	_ =	shalt  }
0x68: {  	_ =	shalt  }
0x69: {  	_ =	shalt  }
0x6a: {  	_ =	shalt  }
0x6b: {  	_ =	shalt  }
0x6c: {  	_ =	shalt  }
0x6d: {  	_ =	shalt  }
0x6e: {  	_ =	shalt  }
0x6f: {  	_ =	shalt  }
0x70: {  	_ =	shalt  }
0x71: {  	_ =	shalt  }
0x72: {  	_ =	shalt  }
0x73: {  	_ =	shalt  }
0x74: {  	_ =	shalt  }
0x75: {  	_ =	shalt  }
0x76: {  	_ =	shalt  }
0x77: {  	_ =	shalt  }
0x78: {  	_ =	shalt  }
0x79: {  	_ =	shalt  }
0x7a: {  	_ =	shalt  }
0x7b: {  	_ =	shalt  }
0x7c: {  	_ =	shalt  }
0x7d: {  	_ =	shalt  }
0x7e: {  	_ =	shalt  }
0x7f: {  	_ =	shalt  }
0x80: {  	_ =	shalt  }
0x81: {  	_ =	shalt  }
0x82: {  	_ =	shalt  }
0x83: {  	_ =	shalt  }
0x84: {  	_ =	shalt  }
0x85: {  	_ =	shalt  }
0x86: {  	_ =	shalt  }
0x87: {  	_ =	shalt  }
.Lfunc_end0:
.L_simem_size_0:
called_computation_lowered:
.L_overlay_start_0:
0x88: {  	s2 =	sld [smem:$0x3FD9]  }
0x89: {  	s3 =	sld [smem:$0x3FFE];
	_ =	sdelay $0x1  }
0x8a: {  	s1 =	srdreg.scid  }
0x8b: {  	s0 =	sand.u32 $0x1, s1  }
0x8c: {  	s17 =	sshll.u32 s0, $0xA;
	s2 =	sadd.s32 s3, s2  }
0x8d: {  	s2 =	sadd.s32 s2, s17  }
0x8e: {  	[smem:$0x3FC1] =	sst s2  }
0x8f: {  	_ = 	snop  }
0x90: {  	s2 =	sld [smem:$0x3FC8]  }
0x91: {  	s18 =	sld [smem:$0x3FD0];
	(tm) =	ssettm $0x1  }
0x92: {  	s4 =	sld [smem:$0x3FFB];
	_ =	sdelay $0x3  }
0x93: {  	_ =	strace s4  }
0x94: {  	s4 =	sld [smem:$0x3FFC];
	_ =	sdelay $0x3  }
0x95: {  	_ =	strace s4  }
0x96: {  	s4 =	sld [smem:$0x3FFD];
	_ =	sdelay $0x3  }
0x97: {  	_ =	strace s4  }
0x98: {  	_ =	strace $0x8FFFFFFF  }
0x99: {  	s19 =	sld [smem:$0x3FDB];
	_ =	sdelay $0x1  }
0x9a: {  	s5 =	simm.s32 $_scs_section_size  }
0x9b: {  	s6 =	simm.s32 $_size__tile_overlayer_lowered;
	s7 =	simm.s32 $_tile_overlayer_lowered  }
0x9c: {  	s22 =	simm.s32 $0x1BFF;
	s21 =	sshll.u32 s7, $0x1;
	s4 =	sadd.s32 s5, s19  }
0x9d: {  	s8 =	simm.s32 $0x0;
	s20 =	sshll.u32 s6, $0x1;
	s6 =	sadd.s32 s21, s4  }
0x9e: {  	[timem:s8], [sflag:s22] =	dma.local [hbm:s6], s20  }
0x9f: {  	_ =	swait.ge [sflag:s22], s20  }
0xa0: {  	s5 =	ssub.s32 $0x0, s20;
	[sflag:s22] =	ssyncset.done $0x0  }
0xa1: {  	[sflag:s22] =	ssyncadd.s32 s5;
	_ =	sdelay $0x1  }
0xa2: {  	s23 =	simm.s32 $0x1B8B  }
0xa3: {  	_ =	swait.ge [sflag:s23], $0x1  }
0xa4: {  	[sflag:s23] =	ssyncset.done $0x0  }
0xa5: {  	s25 =	simm.s32 $0x1B8E;
	s24 =	sld [smem:$0x3FFE];
	[sflag:s23] =	ssyncadd.s32 $0xFFFFFFFF  }
0xa6: {  	s26 =	simm.s32 $execute0_lowered;
	[smem:$0x3FD2] =	sst s25  }
0xa7: {  	s6 =	sshll.u32 s26, $0x1;
	_ =	strace $0x80000046;
	[dreg:$0x1] =	wrdreg $0xFFFFFFFF  }
0xa8: {  	s28 =	simm.s32 $_size_execute0_lowered;
	s4 =	sadd.s32 s4, s6;
	[dreg:$0x0] =	wrdreg $0x0  }
0xa9: {  	s6 =	sshll.u32 s28, $0x1;
	[dreg:$0x2] =	wrdreg s4  }
0xaa: {  	[dreg:$0x3] =	wrdreg s6  }
0xab: {  	[dreg:$0x4] =	wrdreg $0xC0  }
0xac: {  	_ =	task [dreg:s8], $0x5FFFF  }
0xad: {  	[dreg:$0x1] =	wrdreg $0xFFFFFFFF  }
0xae: {  	[dreg:$0x0] =	wrdreg $0x60  }
0xaf: {  	[dreg:$0x2] =	wrdreg s18  }
0xb0: {  	[dreg:$0x3] =	wrdreg s2  }
0xb1: {  	[dreg:$0x4] =	wrdreg s24  }
0xb2: {  	[dreg:$0x5] =	wrdreg $0x9  }
0xb3: {  	_ =	task.clear_ibuf [dreg:s8], $0x6FFFF;
	_ =	strace $0x90000046  }
0xb4: {  	s29 =	simm.s32 $0x9;
	_ =	strace $0x80000048  }
0xb5: {  	_ =	swait.ge [sflag:s29], $0x1  }
0xb6: {  	[sflag:s29] =	ssyncadd.s32 $0xFFFFFFFF  }
0xb7: {  	_ =	strace $0x90000048  }
0xb8: {  	_ =	sfence  }
0xb9: {  	s30 =	sld [smem:$0x0];
	_ =	sdelay $0x2  }
0xba: {  	s31 =	sshll.u32 s1, $0xD;
	s1 =	sshrl.u32 s1, $0x2  }
0xbb: {  	s3 =	sand.u32 $0x4000, s31;
	s1 =	sadd.s32 s1, s30  }
0xbc: {  	s0 =	sor.u32 s3, s0;
	s1 =	sshll.u32 s1, $0x11  }
0xbd: {  	s0 =	sor.u32 s1, s0  }
0xbe: {  	s0 =	sadd.s32 $0x8F2B, s0  }
0xbf: {  	[sflag:s0] =	ssyncadd.remote.s32 $0x1  }
0xc0: {  	_ =	sfence.sel $0xFFFF  }
0xc1: {  	[dreg:$0x0] =	wrdreg $0xFFFFFFFF;
	(pc) =	sbr.abs _section_cstart, $3  }
0xc2: {  	[dreg:$0x1] =	wrdreg $0xFFFFFFFF  }
0xc3: {  	_ =	task.clear_ibuf [dreg:s8], $0x2FFFF;
	_ =	strace $0x9FFFFFFF  }
0xc4: {  	(tm) =	ssettm $0x7FFFFFFF  }
0xc5: {  	_ =	shalt  }
tec
execute0_lowered:
.L_overlay_start_1:
0x0: {  	(tag) =	ssettag $0x1  }
0x1: {  	s1 =	rddreg [dreg:$0x0];
	s2 =	srdreg.scid  }
0x2: {  	s0 =	stileid.u32;
	s4 =	rddreg [dreg:$0x1]  }
0x3: {  	s6 =	rddreg [dreg:$0x2];
	s12 =	simm.s32 $0x50;
	s13 =	simm.s32 $0x2710  }
0x4: {  	s14 =	simm.s32 $0x2C10;
	s15 =	simm.s32 $0x3110;
	s16 =	simm.s32 $0x3610  }
0x5: {  	s17 =	simm.s32 $0x3B10;
	s18 =	simm.s32 $0x1;
	s9 =	smul.u32 $0x4E20, s0  }
0x6: {  	s19 =	simm.s32 $0x2;
	s5 =	sand.u32 $0x1, s2;
	s28 =	smul.u32 $0x9C40, s0  }
0x7: {  	s20 =	simm.s32 $0x0;
	s26 =	sshll.u32 s0, $0x1;
	s11 =	smul.u32 $0x2710, s5  }
0x8: {  	s2 =	rddreg [dreg:$0x3];
	s3 =	sor.u32 s5, s26;
	s29 =	smul.u32 $0x4E20, s5  }
0x9: {  	s6 =	sadd.s32 $0xC00, s6;
	s8 =	ssub.s32 $0x2, s5;
	s7 =	smul.u32 $0x2710, s3  }
0xa: {  	s3 =	simm.s32 $0x0;
	s10 =	sshrl.u32 s8, $0x1;
	s30 =	sadd.s32 s28, s6  }
0xb: {  	[smem:$0x7FF] =	sst s3;
	s8 =	ssub.s32 s8, s10;
	s9 =	sadd.s32 s11, s9  }
0xc: {  	s11 =	simm.s32 $0x3;
	_ =	strace $0x80000047;
	s9 =	sshll.u32 s9, $0x1  }
0xd: {  	s7 =	sshrl.u32 s7, $0x3;
	s5 =	smax.u32 s8, $0x1;
	s31 =	sadd.s32 s6, s9  }
0xe: {  	s4 =	sadd.s32 s4, s7;
	s6 =	sadd.s32 s29, s30;
	s7 =	sadd.s32 $0x280, s31  }
0xf: {  	s8 =	sadd.s32 $0x1E0, s31;
	s9 =	sadd.s32 $0x140, s31;
	s10 =	sadd.s32 $0xA0, s31  }
.LBB2_1:
0x10: {  	[tilespmem:s3], [sflag:$0x3] =	stream.linear.gather [hbm4b:s4+s3], $0x2710, $0x38;
	[tilespmem:$0x4010] =	vst v63  }
0x11: {  	_ =	swait.ge [sflag:s11], $0x2710  }
0x12: {  	[sflag:s11] =	ssyncset.done $0x0  }
0x13: {  	s21 =	simm.s32 $0x0;
	[sflag:s11] =	ssyncadd.s32 $0xFFFFD8F0  }
0x14: {  	[tilespmem:s13], [sflag:$0x1] =	stream.indirect.gather [hbm4b:s1+s12], $0x10, s21, s12, $0xb8;
	[tilespmem:$0x4010] =	vst v63  }
0x15: {  	s22 =	simm.s32 $0x50  }
0x16: {  	[tilespmem:s14], [sflag:$0x1] =	stream.indirect.gather [hbm4b:s1+s12], $0x10, s22, s12, $0xb8;
	[tilespmem:$0x4010] =	vst v63  }
0x17: {  	s23 =	simm.s32 $0xA0  }
0x18: {  	[tilespmem:s15], [sflag:$0x1] =	stream.indirect.gather [hbm4b:s1+s12], $0x10, s23, s12, $0xb8;
	[tilespmem:$0x4010] =	vst v63  }
0x19: {  	s24 =	simm.s32 $0xF0  }
0x1a: {  	[tilespmem:s16], [sflag:$0x1] =	stream.indirect.gather [hbm4b:s1+s12], $0x10, s24, s12, $0xb8;
	[tilespmem:$0x4010] =	vst v63  }
0x1b: {  	s25 =	simm.s32 $0x140  }
0x1c: {  	[tilespmem:s17], [sflag:$0x1] =	stream.indirect.gather [hbm4b:s1+s12], $0x10, s25, s12, $0xb8;
	[tilespmem:$0x4010] =	vst v63  }
0x1d: {  	_ =	swait.ge [sflag:s18], $0x500  }
0x1e: {  	[sflag:s18] =	ssyncset.done $0x0  }
0x1f: {  	[sflag:s18] =	ssyncadd.s32 $0xFFFFFB00  }
0x20: {  	_ =	swait.ge [sflag:s18], $0x500  }
0x21: {  	[sflag:s18] =	ssyncset.done $0x0  }
0x22: {  	[sflag:s18] =	ssyncadd.s32 $0xFFFFFB00  }
0x23: {  	_ =	swait.ge [sflag:s18], $0x500  }
0x24: {  	[sflag:s18] =	ssyncset.done $0x0  }
0x25: {  	[sflag:s18] =	ssyncadd.s32 $0xFFFFFB00  }
0x26: {  	_ =	swait.ge [sflag:s18], $0x500  }
0x27: {  	[sflag:s18] =	ssyncset.done $0x0  }
0x28: {  	[sflag:s18] =	ssyncadd.s32 $0xFFFFFB00  }
0x29: {  	_ =	swait.ge [sflag:s18], $0x500  }
0x2a: {  	[sflag:s18] =	ssyncset.done $0x0  }
0x2b: {  	s26 =	sadd.s32 $0x0, s6;
	[sflag:s18] =	ssyncadd.s32 $0xFFFFFB00  }
0x2c: {  	[hbm4b:s26+s3] =	stream.linear.scatter [tilespmem:s13], [sflag:$0x2], $0x500, $0x38;
	[tilespmem:$0x4010] =	vst v63  }
0x2d: {  	s28 =	sadd.s32 $0x0, s10  }
0x2e: {  	[hbm4b:s28+s3] =	stream.linear.scatter [tilespmem:s14], [sflag:$0x2], $0x500, $0x38;
	[tilespmem:$0x4010] =	vst v63  }
0x2f: {  	s29 =	sadd.s32 $0x0, s9  }
0x30: {  	[hbm4b:s29+s3] =	stream.linear.scatter [tilespmem:s15], [sflag:$0x2], $0x500, $0x38;
	[tilespmem:$0x4010] =	vst v63  }
0x31: {  	s30 =	sadd.s32 $0x0, s8  }
0x32: {  	[hbm4b:s30+s3] =	stream.linear.scatter [tilespmem:s16], [sflag:$0x2], $0x500, $0x38;
	[tilespmem:$0x4010] =	vst v63  }
0x33: {  	s31 =	sadd.s32 $0x0, s7  }
0x34: {  	[hbm4b:s31+s3] =	stream.linear.scatter [tilespmem:s17], [sflag:$0x2], $0x500, $0x38;
	[tilespmem:$0x4010] =	vst v63  }
0x35: {  	_ =	swait.ge [sflag:s19], $0x500  }
0x36: {  	[sflag:s19] =	ssyncset.done $0x0  }
0x37: {  	[sflag:s19] =	ssyncadd.s32 $0xFFFFFB00  }
0x38: {  	_ =	swait.ge [sflag:s19], $0x500  }
0x39: {  	[sflag:s19] =	ssyncset.done $0x0  }
0x3a: {  	[sflag:s19] =	ssyncadd.s32 $0xFFFFFB00  }
0x3b: {  	_ =	swait.ge [sflag:s19], $0x500  }
0x3c: {  	[sflag:s19] =	ssyncset.done $0x0  }
0x3d: {  	[sflag:s19] =	ssyncadd.s32 $0xFFFFFB00  }
0x3e: {  	_ =	swait.ge [sflag:s19], $0x500  }
0x3f: {  	[sflag:s19] =	ssyncset.done $0x0  }
0x40: {  	[sflag:s19] =	ssyncadd.s32 $0xFFFFFB00  }
0x41: {  	s21 =	simm.s32 $0x320;
	_ =	swait.ge [sflag:s19], $0x500  }
0x42: {  	s22 =	simm.s32 $0x2D0;
	s23 =	simm.s32 $0x640;
	[sflag:s19] =	ssyncset.done $0x0  }
.LBB2_2:
0x43: {  	p0 =	sne.s32 s23, $0x4B00;
	s24 =	sadd.s32 $0xFFFFFEC0, s22;
	[sflag:s19] =	ssyncadd.s32 $0xFFFFFB00  }
0x44: {  	[tilespmem:s13], [sflag:$0x1] =	stream.indirect.gather [hbm4b:s1+s12], $0x10, s24, s12, $0xb8;
	[tilespmem:$0x4010] =	vst v63  }
0x45: {  	s25 =	smov.u32 s23;
	s23 =	sadd.s32 $0x320, s23;
	s24 =	sadd.s32 $0xFFFFFF10, s22  }
0x46: {  	[tilespmem:s14], [sflag:$0x1] =	stream.indirect.gather [hbm4b:s1+s12], $0x10, s24, s12, $0xb8;
	[tilespmem:$0x4010] =	vst v63  }
0x47: {  	s24 =	sadd.s32 $0xFFFFFF60, s22  }
0x48: {  	[tilespmem:s15], [sflag:$0x1] =	stream.indirect.gather [hbm4b:s1+s12], $0x10, s24, s12, $0xb8;
	[tilespmem:$0x4010] =	vst v63  }
0x49: {  	s24 =	sadd.s32 $0xFFFFFFB0, s22  }
0x4a: {  	[tilespmem:s16], [sflag:$0x1] =	stream.indirect.gather [hbm4b:s1+s12], $0x10, s24, s12, $0xb8;
	[tilespmem:$0x4010] =	vst v63  }
0x4b: {  	_ = 	snop  }
0x4c: {  	[tilespmem:s17], [sflag:$0x1] =	stream.indirect.gather [hbm4b:s1+s12], $0x10, s22, s12, $0xb8;
	[tilespmem:$0x4010] =	vst v63  }
0x4d: {  	_ =	swait.ge [sflag:s18], $0x500  }
0x4e: {  	[sflag:s18] =	ssyncset.done $0x0  }
0x4f: {  	[sflag:s18] =	ssyncadd.s32 $0xFFFFFB00  }
0x50: {  	_ =	swait.ge [sflag:s18], $0x500  }
0x51: {  	[sflag:s18] =	ssyncset.done $0x0  }
0x52: {  	[sflag:s18] =	ssyncadd.s32 $0xFFFFFB00  }
0x53: {  	_ =	swait.ge [sflag:s18], $0x500  }
0x54: {  	[sflag:s18] =	ssyncset.done $0x0  }
0x55: {  	[sflag:s18] =	ssyncadd.s32 $0xFFFFFB00  }
0x56: {  	_ =	swait.ge [sflag:s18], $0x500  }
0x57: {  	[sflag:s18] =	ssyncset.done $0x0  }
0x58: {  	[sflag:s18] =	ssyncadd.s32 $0xFFFFFB00  }
0x59: {  	_ =	swait.ge [sflag:s18], $0x500  }
0x5a: {  	[sflag:s18] =	ssyncset.done $0x0  }
0x5b: {  	s24 =	sadd.s32 s21, s6;
	[sflag:s18] =	ssyncadd.s32 $0xFFFFFB00  }
0x5c: {  	[hbm4b:s24+s3] =	stream.linear.scatter [tilespmem:s13], [sflag:$0x2], $0x500, $0x38;
	[tilespmem:$0x4010] =	vst v63  }
0x5d: {  	s24 =	sadd.s32 s21, s10  }
0x5e: {  	[hbm4b:s24+s3] =	stream.linear.scatter [tilespmem:s14], [sflag:$0x2], $0x500, $0x38;
	[tilespmem:$0x4010] =	vst v63  }
0x5f: {  	s24 =	sadd.s32 s21, s9  }
0x60: {  	[hbm4b:s24+s3] =	stream.linear.scatter [tilespmem:s15], [sflag:$0x2], $0x500, $0x38;
	[tilespmem:$0x4010] =	vst v63  }
0x61: {  	s24 =	sadd.s32 s21, s8  }
0x62: {  	[hbm4b:s24+s3] =	stream.linear.scatter [tilespmem:s16], [sflag:$0x2], $0x500, $0x38;
	[tilespmem:$0x4010] =	vst v63  }
0x63: {  	s24 =	sadd.s32 s21, s7;
	s21 =	smov.u32 s25  }
0x64: {  	[hbm4b:s24+s3] =	stream.linear.scatter [tilespmem:s17], [sflag:$0x2], $0x500, $0x38;
	[tilespmem:$0x4010] =	vst v63  }
0x65: {  	_ =	swait.ge [sflag:s19], $0x500  }
0x66: {  	[sflag:s19] =	ssyncset.done $0x0  }
0x67: {  	[sflag:s19] =	ssyncadd.s32 $0xFFFFFB00  }
0x68: {  	_ =	swait.ge [sflag:s19], $0x500  }
0x69: {  	[sflag:s19] =	ssyncset.done $0x0  }
0x6a: {  	[sflag:s19] =	ssyncadd.s32 $0xFFFFFB00  }
0x6b: {  	_ =	swait.ge [sflag:s19], $0x500  }
0x6c: {  	[sflag:s19] =	ssyncset.done $0x0  }
0x6d: {  	[sflag:s19] =	ssyncadd.s32 $0xFFFFFB00  }
.Ltmp0:
0x6e: {  	_ =	swait.ge [sflag:s19], $0x500;
	(pc) =	sbr.rel @p0 .LBB2_2-.Ltmp0, $4  }
0x6f: {  	[sflag:s19] =	ssyncset.done $0x0  }
0x70: {  	[sflag:s19] =	ssyncadd.s32 $0xFFFFFB00  }
0x71: {  	_ =	swait.ge [sflag:s19], $0x500  }
0x72: {  	s22 =	sadd.s32 $0x190, s22;
	[sflag:s19] =	ssyncset.done $0x0  }
0x73: {  	s23 =	sadd.s32 $0xFFFFFEC0, s22;
	[sflag:s19] =	ssyncadd.s32 $0xFFFFFB00  }
0x74: {  	[tilespmem:s13], [sflag:$0x1] =	stream.indirect.gather [hbm4b:s1+s12], $0x10, s23, s12, $0xb8;
	[tilespmem:$0x4010] =	vst v63  }
0x75: {  	s31 =	sadd.s32 $0xFFFFFF10, s22  }
0x76: {  	[tilespmem:s14], [sflag:$0x1] =	stream.indirect.gather [hbm4b:s1+s12], $0x10, s31, s12, $0xb8;
	[tilespmem:$0x4010] =	vst v63  }
0x77: {  	s24 =	sadd.s32 $0xFFFFFF60, s22  }
0x78: {  	[tilespmem:s15], [sflag:$0x1] =	stream.indirect.gather [hbm4b:s1+s12], $0x10, s24, s12, $0xb8;
	[tilespmem:$0x4010] =	vst v63  }
0x79: {  	s25 =	sadd.s32 $0xFFFFFFB0, s22  }
0x7a: {  	[tilespmem:s16], [sflag:$0x1] =	stream.indirect.gather [hbm4b:s1+s12], $0x10, s25, s12, $0xb8;
	[tilespmem:$0x4010] =	vst v63  }
0x7b: {  	_ = 	snop  }
0x7c: {  	[tilespmem:s17], [sflag:$0x1] =	stream.indirect.gather [hbm4b:s1+s12], $0x10, s22, s12, $0xb8;
	[tilespmem:$0x4010] =	vst v63  }
0x7d: {  	_ =	swait.ge [sflag:s18], $0x500  }
0x7e: {  	[sflag:s18] =	ssyncset.done $0x0  }
0x7f: {  	[sflag:s18] =	ssyncadd.s32 $0xFFFFFB00  }
0x80: {  	_ =	swait.ge [sflag:s18], $0x500  }
0x81: {  	[sflag:s18] =	ssyncset.done $0x0  }
0x82: {  	[sflag:s18] =	ssyncadd.s32 $0xFFFFFB00  }
0x83: {  	_ =	swait.ge [sflag:s18], $0x500  }
0x84: {  	[sflag:s18] =	ssyncset.done $0x0  }
0x85: {  	[sflag:s18] =	ssyncadd.s32 $0xFFFFFB00  }
0x86: {  	_ =	swait.ge [sflag:s18], $0x500  }
0x87: {  	[sflag:s18] =	ssyncset.done $0x0  }
0x88: {  	[sflag:s18] =	ssyncadd.s32 $0xFFFFFB00  }
0x89: {  	_ =	swait.ge [sflag:s18], $0x500  }
0x8a: {  	[sflag:s18] =	ssyncset.done $0x0  }
0x8b: {  	s26 =	sadd.s32 s21, s6;
	[sflag:s18] =	ssyncadd.s32 $0xFFFFFB00  }
0x8c: {  	[hbm4b:s26+s3] =	stream.linear.scatter [tilespmem:s13], [sflag:$0x2], $0x500, $0x38;
	[tilespmem:$0x4010] =	vst v63  }
0x8d: {  	s28 =	sadd.s32 s21, s10  }
0x8e: {  	[hbm4b:s28+s3] =	stream.linear.scatter [tilespmem:s14], [sflag:$0x2], $0x500, $0x38;
	[tilespmem:$0x4010] =	vst v63  }
0x8f: {  	s29 =	sadd.s32 s21, s9  }
0x90: {  	[hbm4b:s29+s3] =	stream.linear.scatter [tilespmem:s15], [sflag:$0x2], $0x500, $0x38;
	[tilespmem:$0x4010] =	vst v63  }
0x91: {  	s30 =	sadd.s32 s21, s8  }
0x92: {  	[hbm4b:s30+s3] =	stream.linear.scatter [tilespmem:s16], [sflag:$0x2], $0x500, $0x38;
	[tilespmem:$0x4010] =	vst v63  }
0x93: {  	s31 =	sadd.s32 s21, s7  }
0x94: {  	[hbm4b:s31+s3] =	stream.linear.scatter [tilespmem:s17], [sflag:$0x2], $0x500, $0x38;
	[tilespmem:$0x4010] =	vst v63  }
0x95: {  	_ =	swait.ge [sflag:s19], $0x500  }
0x96: {  	[sflag:s19] =	ssyncset.done $0x0  }
0x97: {  	[sflag:s19] =	ssyncadd.s32 $0xFFFFFB00  }
0x98: {  	_ =	swait.ge [sflag:s19], $0x500  }
0x99: {  	[sflag:s19] =	ssyncset.done $0x0  }
0x9a: {  	[sflag:s19] =	ssyncadd.s32 $0xFFFFFB00  }
0x9b: {  	_ =	swait.ge [sflag:s19], $0x500  }
0x9c: {  	[sflag:s19] =	ssyncset.done $0x0  }
0x9d: {  	s20 =	sadd.s32 $0x1, s20;
	[sflag:s19] =	ssyncadd.s32 $0xFFFFFB00  }
0x9e: {  	p0 =	sne.s32 s20, s5;
	_ =	swait.ge [sflag:s19], $0x500  }
.Ltmp1:
0x9f: {  	[sflag:s19] =	ssyncset.done $0x0;
	(pc) =	sbr.rel @p0 .LBB2_1-.Ltmp1, $4  }
0xa0: {  	[sflag:s19] =	ssyncadd.s32 $0xFFFFFB00  }
0xa1: {  	_ =	swait.ge [sflag:s19], $0x500  }
0xa2: {  	[sflag:s19] =	ssyncset.done $0x0  }
0xa3: {  	[sflag:s19] =	ssyncadd.s32 $0xFFFFFB00  }
0xa4: {  	_ =	sfence.sel $0x180000  }
0xa5: {  	[bflag:$0x0] =	sbarrier.arrive $0xFFFF  }
0xa6: {  	p0 =	sne.s32 s0, $0x0;
	_ =	strace $0x90000047  }
0xa7: {  	s0 =	sadd.s32 @!p0 $0x100000, s2;
	[bflag:$0x2] =	sbarrier.arrive $0xFFFF  }
0xa8: {  	[sflag:s0] =	ssyncadd.tile.s32 @!p0 $0x1;
	_ =	shalt  }
.Lfunc_end2:
_tile_overlayer_lowered:
.L_overlay_start_2:
0xa9: {  	(tag) =	ssettag $0x2  }
0xaa: {  	s0 =	rddreg [dreg:$0x0];
	s2 =	stileid.u32  }
0xab: {  	s1 =	rddreg [dreg:$0x1];
	p0 =	sne.s32 s2, $0x0  }
0xac: {  	s3 =	rddreg [dreg:$0x2];
	[bflag:$0x3] =	sbarrier.arrive $0xFFFF;
	s2 =	simm.s32 @!p0 $0x1C03  }
0xad: {  	[timem:s3], [sflag:s2] =	dma.local @!p0 [hbm:s0], s1  }
0xae: {  	s0 =	simm.s32 @!p0 $0x3  }
0xaf: {  	_ =	swait.ge @!p0 [sflag:s0], s1  }
0xb0: {  	s1 =	ssub.s32 @!p0 $0x0, s1;
	[sflag:s0] =	ssyncset.done @!p0 $0x0  }
0xb1: {  	[sflag:s0] =	ssyncadd.s32 @!p0 s1  }
0xb2: {  	[bflag:$0x3] =	sbarrier.arrive $0xFFFF  }
0xb3: {  	_ =	shalt  }

// kernel: kernel.9.cloned.1.call-start
scs
__scs_entry_jumppad:
0x0: {  	(pc) =	sbr.rel $0x88, $3  }
0x1: {  	(tag) =	ssettag $0x0;
	lr =	simm.s32 $0x1  }
0x2: {  	[smem:$0x3F9A] =	sst lr;
	_ =	strace $0xD0000000  }
0x3: {  	_ = 	snop  }
0x4: {  	_ = 	snop  }
0x5: {  	_ = 	snop  }
0x6: {  	_ = 	snop  }
0x7: {  	_ = 	snop  }
__scs_overlays_trampoline_lowered:
0x8: {  	[smem:$0x3FA9] =	sst s0  }
0x9: {  	[smem:$0x3FAA] =	sst s1  }
0xa: {  	[smem:$0x3FAB] =	sst s2  }
0xb: {  	[smem:$0x3FAC] =	sst s3  }
0xc: {  	[smem:$0x3FAD] =	sst s4  }
0xd: {  	[smem:$0x3FAE] =	sst s5  }
0xe: {  	[smem:$0x3FAF] =	sst s6  }
0xf: {  	[smem:$0x3FB0] =	sst s7  }
0x10: {  	[smem:$0x3FB1] =	sst s8  }
0x11: {  	[smem:$0x3FB2] =	sst s9;
	s0 =	simm.s32 @!p0 $0x0  }
0x12: {  	s1 =	sld [smem:$0x3F98];
	s0 =	simm.s32 @p0 $0x1  }
0x13: {  	[smem:$0x3FB3] =	sst s0;
	s0 =	simm.s32 @!p1 $0x0  }
0x14: {  	s2 =	sld [smem:$0x3F97];
	s0 =	simm.s32 @p1 $0x1  }
0x15: {  	[smem:$0x3FB4] =	sst s0;
	s0 =	simm.s32 @!p2 $0x0  }
0x16: {  	s3 =	sld [smem:$0x3FDB];
	s0 =	simm.s32 @p2 $0x1  }
0x17: {  	s4 =	simm.s32 $0x1BF5;
	[smem:$0x3FB6] =	sst s0  }
0x18: {  	s0 =	sld [smem:$0x3F99];
	_ =	swait.ge [sflag:s4], $0x0  }
0x19: {  	s7 =	sld [smem:$0x3F9A]  }
0x1a: {  	s8 =	sadd.s32 $0xFFFFE003, lr  }
0x1b: {  	s9 =	sadd.s32 $0xFFFFFEF7, lr;
	s5 =	simm.s32 $0xFFFFFFFF;
	p2 =	slt.u32 s8, $0xFFFFF086  }
0x1c: {  	p1 =	slt.u32 s9, $0xF7A;
	s5 =	simm.s32 @!p2 $0x0  }
0x1d: {  	s5 =	simm.s32 @p1 $0x1;
	p0 =	seq.s32 s7, s2  }
0x1e: {  	s7 =	smul.u32 @!p0 $0xF7A, s2;
	p2 =	seq.s32 @!p0 s5, $0x0  }
0x1f: {  	s9 =	smul.u32 $0xF7A, s1;
	s8 =	simm.s32 @!p0 $0x1BF5;
	p2 =	por !p2, p0  }
0x20: {  	[sflag:s8] =	ssyncset.s32 @!p0 $0xFFFFF086;
	s6 =	sadd.s32 @!p0 s3, s7;
	s7 =	simm.s32 @!p0 $0x108  }
0x21: {  	s3 =	sadd.s32 s3, s9;
	s6 =	sadd.s32 @!p0 $0x88, s6;
	s7 =	simm.s32 @p2 $0x1082  }
0x22: {  	[simem:s7], [sflag:s8] =	dma.local @!p0 [hbm:s6], $0xF7A  }
0x23: {  	s9 =	sor.u32 $0xD0000000, s2;
	s6 =	simm.s32 $0x108;
	_ =	swait.ge @!p0 [sflag:s8], $0x0  }
0x24: {  	s3 =	sadd.s32 $0x88, s3;
	s6 =	simm.s32 @!p1 $0x1082;
	[sflag:s4] =	ssyncset.s32 $0xFFFFF086  }
0x25: {  	[simem:s6], [sflag:s4] =	dma.local [hbm:s3], $0xF7A  }
0x26: {  	[smem:$0x3F9A] =	sst s1;
	(tag) =	ssettag s2;
	_ =	strace s9  }
0x27: {  	s1 =	sld [smem:$0x3FAA]  }
0x28: {  	s2 =	sld [smem:$0x3FAB]  }
0x29: {  	s4 =	sld [smem:$0x3FAD]  }
0x2a: {  	p0 =	seq.s32 s5, $0x0;
	s5 =	sld [smem:$0x3FAE]  }
0x2b: {  	s6 =	sld [smem:$0x3FAF]  }
0x2c: {  	s7 =	sld [smem:$0x3FB0]  }
0x2d: {  	s3 =	simm.s32 $0x108;
	s8 =	sld [smem:$0x3FB1]  }
0x2e: {  	s3 =	simm.s32 @!p0 $0x1082;
	s9 =	sld [smem:$0x3FB2]  }
0x2f: {  	lr =	sadd.s32 s0, s3;
	s0 =	sld [smem:$0x3FA9]  }
0x30: {  	s3 =	sld [smem:$0x3FAC]  }
0x31: {  	[smem:$0x3FB5] =	sst s10  }
0x32: {  	s10 =	sld [smem:$0x3FB3];
	_ =	sdelay $0x3  }
0x33: {  	p0 =	seq.s32 s10, $0x1;
	s10 =	sld [smem:$0x3FB5];
	_ =	sdelay $0x3  }
0x34: {  	[smem:$0x3FB5] =	sst s10  }
0x35: {  	s10 =	sld [smem:$0x3FB4];
	_ =	sdelay $0x3  }
0x36: {  	p1 =	seq.s32 s10, $0x1;
	s10 =	sld [smem:$0x3FB5];
	_ =	sdelay $0x3  }
0x37: {  	[smem:$0x3FB5] =	sst s10  }
0x38: {  	s10 =	sld [smem:$0x3FB6]  }
0x39: {  	_ = 	snop;
	(pc) =	sbr.ind lr, $3  }
0x3a: {  	_ = 	snop  }
0x3b: {  	_ = 	snop  }
0x3c: {  	p2 =	seq.s32 s10, $0x1;
	s10 =	sld [smem:$0x3FB5]  }
0x3d: {  	_ =	shalt  }
0x3e: {  	_ =	shalt  }
0x3f: {  	_ =	shalt  }
0x40: {  	_ =	shalt  }
0x41: {  	_ =	shalt  }
0x42: {  	_ =	shalt  }
0x43: {  	_ =	shalt  }
0x44: {  	_ =	shalt  }
0x45: {  	_ =	shalt  }
0x46: {  	_ =	shalt  }
0x47: {  	_ =	shalt  }
0x48: {  	_ =	shalt  }
0x49: {  	_ =	shalt  }
0x4a: {  	_ =	shalt  }
0x4b: {  	_ =	shalt  }
0x4c: {  	_ =	shalt  }
0x4d: {  	_ =	shalt  }
0x4e: {  	_ =	shalt  }
0x4f: {  	_ =	shalt  }
0x50: {  	_ =	shalt  }
0x51: {  	_ =	shalt  }
0x52: {  	_ =	shalt  }
0x53: {  	_ =	shalt  }
0x54: {  	_ =	shalt  }
0x55: {  	_ =	shalt  }
0x56: {  	_ =	shalt  }
0x57: {  	_ =	shalt  }
0x58: {  	_ =	shalt  }
0x59: {  	_ =	shalt  }
0x5a: {  	_ =	shalt  }
0x5b: {  	_ =	shalt  }
0x5c: {  	_ =	shalt  }
0x5d: {  	_ =	shalt  }
0x5e: {  	_ =	shalt  }
0x5f: {  	_ =	shalt  }
0x60: {  	_ =	shalt  }
0x61: {  	_ =	shalt  }
0x62: {  	_ =	shalt  }
0x63: {  	_ =	shalt  }
0x64: {  	_ =	shalt  }
0x65: {  	_ =	shalt  }
0x66: {  	_ =	shalt  }
0x67: {  	_ =	shalt  }
0x68: {  	_ =	shalt  }
0x69: {  	_ =	shalt  }
0x6a: {  	_ =	shalt  }
0x6b: {  	_ =	shalt  }
0x6c: {  	_ =	shalt  }
0x6d: {  	_ =	shalt  }
0x6e: {  	_ =	shalt  }
0x6f: {  	_ =	shalt  }
0x70: {  	_ =	shalt  }
0x71: {  	_ =	shalt  }
0x72: {  	_ =	shalt  }
0x73: {  	_ =	shalt  }
0x74: {  	_ =	shalt  }
0x75: {  	_ =	shalt  }
0x76: {  	_ =	shalt  }
0x77: {  	_ =	shalt  }
0x78: {  	_ =	shalt  }
0x79: {  	_ =	shalt  }
0x7a: {  	_ =	shalt  }
0x7b: {  	_ =	shalt  }
0x7c: {  	_ =	shalt  }
0x7d: {  	_ =	shalt  }
0x7e: {  	_ =	shalt  }
0x7f: {  	_ =	shalt  }
0x80: {  	_ =	shalt  }
0x81: {  	_ =	shalt  }
0x82: {  	_ =	shalt  }
0x83: {  	_ =	shalt  }
0x84: {  	_ =	shalt  }
0x85: {  	_ =	shalt  }
0x86: {  	_ =	shalt  }
0x87: {  	_ =	shalt  }
.Lfunc_end0:
.L_simem_size_0:
called_computation.1_lowered:
.L_overlay_start_0:
0x88: {  	s2 =	sld [smem:$0x3FD9]  }
0x89: {  	s3 =	sld [smem:$0x3FFE];
	_ =	sdelay $0x1  }
0x8a: {  	s1 =	srdreg.scid  }
0x8b: {  	s0 =	sand.u32 $0x1, s1  }
0x8c: {  	s17 =	sshll.u32 s0, $0xA;
	s2 =	sadd.s32 s3, s2  }
0x8d: {  	s2 =	sadd.s32 s2, s17  }
0x8e: {  	[smem:$0x3FC1] =	sst s2  }
0x8f: {  	_ = 	snop  }
0x90: {  	s2 =	sld [smem:$0x3FC7]  }
0x91: {  	s18 =	sld [smem:$0x3FD0];
	(tm) =	ssettm $0x1  }
0x92: {  	s4 =	sld [smem:$0x3FFB];
	_ =	sdelay $0x3  }
0x93: {  	_ =	strace s4  }
0x94: {  	s4 =	sld [smem:$0x3FFC];
	_ =	sdelay $0x3  }
0x95: {  	_ =	strace s4  }
0x96: {  	s4 =	sld [smem:$0x3FFD];
	_ =	sdelay $0x3  }
0x97: {  	_ =	strace s4  }
0x98: {  	_ =	strace $0x8FFFFFFF  }
0x99: {  	s19 =	sld [smem:$0x3FDB];
	_ =	sdelay $0x1  }
0x9a: {  	s5 =	simm.s32 $_scs_section_size  }
0x9b: {  	s6 =	simm.s32 $_size__tile_overlayer_lowered;
	s7 =	simm.s32 $_tile_overlayer_lowered  }
0x9c: {  	s22 =	simm.s32 $0x1BFF;
	s21 =	sshll.u32 s7, $0x1;
	s4 =	sadd.s32 s5, s19  }
0x9d: {  	s8 =	simm.s32 $0x0;
	s20 =	sshll.u32 s6, $0x1;
	s6 =	sadd.s32 s21, s4  }
0x9e: {  	[timem:s8], [sflag:s22] =	dma.local [hbm:s6], s20  }
0x9f: {  	_ =	swait.ge [sflag:s22], s20  }
0xa0: {  	s5 =	ssub.s32 $0x0, s20;
	[sflag:s22] =	ssyncset.done $0x0  }
0xa1: {  	[sflag:s22] =	ssyncadd.s32 s5;
	_ =	sdelay $0x1  }
0xa2: {  	s23 =	simm.s32 $0x1B8B  }
0xa3: {  	_ =	swait.ge [sflag:s23], $0x1  }
0xa4: {  	[sflag:s23] =	ssyncset.done $0x0  }
0xa5: {  	s25 =	simm.s32 $0x1B8E;
	s24 =	sld [smem:$0x3FFE];
	[sflag:s23] =	ssyncadd.s32 $0xFFFFFFFF  }
0xa6: {  	s26 =	simm.s32 $execute0_lowered;
	[smem:$0x3FD2] =	sst s25  }
0xa7: {  	s6 =	sshll.u32 s26, $0x1;
	_ =	strace $0x80000049;
	[dreg:$0x1] =	wrdreg $0xFFFFFFFF  }
0xa8: {  	s28 =	simm.s32 $_size_execute0_lowered;
	s4 =	sadd.s32 s4, s6;
	[dreg:$0x0] =	wrdreg $0x0  }
0xa9: {  	s6 =	sshll.u32 s28, $0x1;
	[dreg:$0x2] =	wrdreg s4  }
0xaa: {  	[dreg:$0x3] =	wrdreg s6  }
0xab: {  	[dreg:$0x4] =	wrdreg $0xC0  }
0xac: {  	_ =	task [dreg:s8], $0x5FFFF  }
0xad: {  	[dreg:$0x1] =	wrdreg $0xFFFFFFFF  }
0xae: {  	[dreg:$0x0] =	wrdreg $0x60  }
0xaf: {  	[dreg:$0x2] =	wrdreg s24  }
0xb0: {  	[dreg:$0x3] =	wrdreg s2  }
0xb1: {  	[dreg:$0x4] =	wrdreg s18  }
0xb2: {  	[dreg:$0x5] =	wrdreg $0x40100  }
0xb3: {  	[dreg:$0x6] =	wrdreg $0x9  }
0xb4: {  	_ =	task.clear_ibuf [dreg:s8], $0x7FFFF;
	_ =	strace $0x90000049  }
0xb5: {  	s29 =	simm.s32 $0x9;
	_ =	strace $0x8000004B  }
0xb6: {  	_ =	swait.ge [sflag:s29], $0x1  }
0xb7: {  	[sflag:s29] =	ssyncadd.s32 $0xFFFFFFFF  }
0xb8: {  	_ =	strace $0x9000004B  }
0xb9: {  	_ =	sfence  }
0xba: {  	s30 =	sld [smem:$0x0];
	_ =	sdelay $0x2  }
0xbb: {  	s31 =	sshll.u32 s1, $0xD;
	s1 =	sshrl.u32 s1, $0x2  }
0xbc: {  	s3 =	sand.u32 $0x4000, s31;
	s1 =	sadd.s32 s1, s30  }
0xbd: {  	s0 =	sor.u32 s3, s0;
	s1 =	sshll.u32 s1, $0x11  }
0xbe: {  	s0 =	sor.u32 s1, s0  }
0xbf: {  	s0 =	sadd.s32 $0x8F2B, s0  }
0xc0: {  	[sflag:s0] =	ssyncadd.remote.s32 $0x1  }
0xc1: {  	_ =	sfence.sel $0xFFFF  }
0xc2: {  	[dreg:$0x0] =	wrdreg $0xFFFFFFFF;
	(pc) =	sbr.abs _section_cstart, $3  }
0xc3: {  	[dreg:$0x1] =	wrdreg $0xFFFFFFFF  }
0xc4: {  	_ =	task.clear_ibuf [dreg:s8], $0x2FFFF;
	_ =	strace $0x9FFFFFFF  }
0xc5: {  	(tm) =	ssettm $0x7FFFFFFF  }
tec
execute0_lowered:
.L_overlay_start_1:
0x0: {  	(tag) =	ssettag $0x1  }
0x1: {  	s4 =	rddreg [dreg:$0x0]  }
0x2: {  	s6 =	rddreg [dreg:$0x1]  }
0x3: {  	s5 =	rddreg [dreg:$0x2];
	s1 =	srdreg.scid  }
0x4: {  	s0 =	stileid.u32;
	s2 =	rddreg [dreg:$0x3]  }
0x5: {  	s3 =	simm.s32 $0x0;
	s17 =	simm.s32 $0x2C10;
	s18 =	simm.s32 $0x3110  }
0x6: {  	s19 =	simm.s32 $0x3610;
	s20 =	simm.s32 $0x3B10;
	s7 =	smul.u32 $0x2710, s0  }
0x7: {  	s21 =	simm.s32 $0x1;
	s22 =	simm.s32 $0x50;
	s11 =	smul.u32 $0x4E20, s0  }
0x8: {  	s23 =	simm.s32 $0x0;
	s10 =	sand.u32 $0x1, s1;
	s30 =	smul.u32 $0x9C40, s0  }
0x9: {  	[smem:$0x7FF] =	sst s3;
	s9 =	sshll.u32 s0, $0x1;
	s8 =	smul.u32 $0x27100, s10  }
0xa: {  	s12 =	sadd.s32 $0xC00, s4;
	s25 =	sshll.u32 s0, $0x6;
	s15 =	smul.u32 $0x2710, s10  }
0xb: {  	s9 =	sor.u32 s10, s9;
	s24 =	ssub.s32 $0x2, s10;
	s31 =	smul.u32 $0x4E20, s10  }
0xc: {  	_ =	strace $0x8000004A;
	s9 =	smul.u32 $0x2710, s9;
	s13 =	sshrl.u32 s24, $0x1  }
0xd: {  	s14 =	sshrl.u32 s7, $0x3;
	s16 =	sadd.s32 s7, s2;
	s8 =	sadd.s32 s7, s8  }
0xe: {  	s13 =	ssub.s32 s24, s13;
	s28 =	sadd.s32 s15, s11;
	s15 =	sadd.s32 s30, s12  }
0xf: {  	s8 =	sshrl.u32 s8, $0x3;
	s26 =	sshrl.u32 s9, $0x3;
	s9 =	sshll.u32 s28, $0x1  }
0x10: {  	s8 =	sadd.s32 s8, s4;
	s4 =	sadd.s32 s5, s14;
	s5 =	sor.u32 $0x1C02, s25  }
0x11: {  	s6 =	sadd.s32 s6, s26;
	s29 =	sadd.s32 s12, s9;
	s14 =	sshrl.u32 s16, $0x3  }
0x12: {  	s16 =	simm.s32 $0x2710;
	s7 =	sadd.s32 $0x9D000, s8;
	s8 =	smax.u32 s13, $0x1  }
0x13: {  	s9 =	sadd.s32 $0x280, s29;
	s10 =	sadd.s32 $0x1E0, s29;
	s11 =	sadd.s32 $0x140, s29  }
0x14: {  	s12 =	sadd.s32 $0xA0, s29;
	s13 =	sadd.s32 s31, s15;
	s15 =	simm.s32 $0x2  }
.LBB2_1:
0x15: {  	[spmem:s14], [sflag:s5] =	dma.local [hbm:s4], $0x4E2  }
0x16: {  	_ =	swait.ge [sflag:s15], $0x4E2  }
0x17: {  	[sflag:s15] =	ssyncset.done $0x0  }
0x18: {  	[sflag:s15] =	ssyncadd.s32 $0xFFFFFB1E  }
0x19: {  	[tilespmem:s3], [sflag:$0x2] =	stream.linear.gather [hbm4b:s6+s3], $0x2710, $0x38;
	[tilespmem:$0x6720] =	vst v63  }
0x1a: {  	_ =	swait.ge [sflag:s15], $0x2710  }
0x1b: {  	[sflag:s15] =	ssyncset.done $0x0  }
0x1c: {  	[sflag:s15] =	ssyncadd.s32 $0xFFFFD8F0  }
0x1d: {  	[bflag:$0x0] =	sbarrier.arrive $0xFFFF  }
0x1e: {  	[tilespmem:s16], [sflag:$0x1] =	stream.linear.gather [hbm4b:s13+s3], $0x500, $0x38;
	[tilespmem:$0x6720] =	vst v63  }
0x1f: {  	_ = 	snop  }
0x20: {  	[tilespmem:s17], [sflag:$0x1] =	stream.linear.gather [hbm4b:s12+s3], $0x500, $0x38;
	[tilespmem:$0x6720] =	vst v63  }
0x21: {  	_ = 	snop  }
0x22: {  	[tilespmem:s18], [sflag:$0x1] =	stream.linear.gather [hbm4b:s11+s3], $0x500, $0x38;
	[tilespmem:$0x6720] =	vst v63  }
0x23: {  	_ = 	snop  }
0x24: {  	[tilespmem:s19], [sflag:$0x1] =	stream.linear.gather [hbm4b:s10+s3], $0x500, $0x38;
	[tilespmem:$0x6720] =	vst v63  }
0x25: {  	_ = 	snop  }
0x26: {  	[tilespmem:s20], [sflag:$0x1] =	stream.linear.gather [hbm4b:s9+s3], $0x500, $0x38;
	[tilespmem:$0x6720] =	vst v63  }
0x27: {  	_ =	swait.ge [sflag:s21], $0x500  }
0x28: {  	[sflag:s21] =	ssyncset.done $0x0  }
0x29: {  	[sflag:s21] =	ssyncadd.s32 $0xFFFFFB00  }
0x2a: {  	_ =	swait.ge [sflag:s21], $0x500  }
0x2b: {  	[sflag:s21] =	ssyncset.done $0x0  }
0x2c: {  	[sflag:s21] =	ssyncadd.s32 $0xFFFFFB00  }
0x2d: {  	_ =	swait.ge [sflag:s21], $0x500  }
0x2e: {  	[sflag:s21] =	ssyncset.done $0x0  }
0x2f: {  	[sflag:s21] =	ssyncadd.s32 $0xFFFFFB00  }
0x30: {  	_ =	swait.ge [sflag:s21], $0x500  }
0x31: {  	[sflag:s21] =	ssyncset.done $0x0  }
0x32: {  	[sflag:s21] =	ssyncadd.s32 $0xFFFFFB00  }
0x33: {  	_ =	swait.ge [sflag:s21], $0x500  }
0x34: {  	[sflag:s21] =	ssyncset.done $0x0  }
0x35: {  	s24 =	simm.s32 $0x0;
	[sflag:s21] =	ssyncadd.s32 $0xFFFFFB00  }
0x36: {  	[spmem:s2] =	stream.indirect.scatter.add.f32 [tilespmem:s16], [sflag:$0x2], $0x10, s24, s22, $0xb8;
	[tilespmem:$0x6720] =	vst v63  }
0x37: {  	_ =	swait.ge [sflag:s15], $0x500  }
0x38: {  	[sflag:s15] =	ssyncset.done $0x0  }
0x39: {  	s1 =	simm.s32 $0x50;
	[sflag:s15] =	ssyncadd.s32 $0xFFFFFB00  }
0x3a: {  	[spmem:s2] =	stream.indirect.scatter.add.f32 [tilespmem:s17], [sflag:$0x2], $0x10, s1, s22, $0xb8;
	[tilespmem:$0x6720] =	vst v63  }
0x3b: {  	_ =	swait.ge [sflag:s15], $0x500  }
0x3c: {  	[sflag:s15] =	ssyncset.done $0x0  }
0x3d: {  	s25 =	simm.s32 $0xA0;
	[sflag:s15] =	ssyncadd.s32 $0xFFFFFB00  }
0x3e: {  	[spmem:s2] =	stream.indirect.scatter.add.f32 [tilespmem:s18], [sflag:$0x2], $0x10, s25, s22, $0xb8;
	[tilespmem:$0x6720] =	vst v63  }
0x3f: {  	_ =	swait.ge [sflag:s15], $0x500  }
0x40: {  	[sflag:s15] =	ssyncset.done $0x0  }
0x41: {  	s26 =	simm.s32 $0xF0;
	[sflag:s15] =	ssyncadd.s32 $0xFFFFFB00  }
0x42: {  	[spmem:s2] =	stream.indirect.scatter.add.f32 [tilespmem:s19], [sflag:$0x2], $0x10, s26, s22, $0xb8;
	[tilespmem:$0x6720] =	vst v63  }
0x43: {  	_ =	swait.ge [sflag:s15], $0x500  }
0x44: {  	s31 =	simm.s32 $0x140;
	[sflag:s15] =	ssyncset.done $0x0  }
0x45: {  	s28 =	sadd.s32 $0x320, s12;
	s29 =	smov.u32 s9;
	[sflag:s15] =	ssyncadd.s32 $0xFFFFFB00  }
0x46: {  	[spmem:s2] =	stream.indirect.scatter.add.f32 [tilespmem:s20], [sflag:$0x2], $0x10, s31, s22, $0xb8;
	[tilespmem:$0x6720] =	vst v63  }
0x47: {  	s30 =	smov.u32 s10;
	s24 =	simm.s32 $0x640;
	_ =	swait.ge [sflag:s15], $0x500  }
0x48: {  	s25 =	sadd.s32 $0x320, s13;
	s26 =	sadd.s32 $0x320, s11;
	[sflag:s15] =	ssyncset.done $0x0  }
.LBB2_2:
0x49: {  	[sflag:s15] =	ssyncadd.s32 $0xFFFFFB00;
	s29 =	sadd.s32 $0x320, s29;
	s30 =	sadd.s32 $0x320, s30  }
0x4a: {  	[tilespmem:s16], [sflag:$0x1] =	stream.linear.gather [hbm4b:s25+s3], $0x500, $0x38;
	[tilespmem:$0x6720] =	vst v63  }
0x4b: {  	p0 =	sne.s32 s24, $0x9600;
	s31 =	smov.u32 s24;
	s24 =	sadd.s32 $0x640, s24  }
0x4c: {  	[tilespmem:s17], [sflag:$0x1] =	stream.linear.gather [hbm4b:s28+s3], $0x500, $0x38;
	[tilespmem:$0x6720] =	vst v63  }
0x4d: {  	_ = 	snop  }
0x4e: {  	[tilespmem:s18], [sflag:$0x1] =	stream.linear.gather [hbm4b:s26+s3], $0x500, $0x38;
	[tilespmem:$0x6720] =	vst v63  }
0x4f: {  	_ = 	snop  }
0x50: {  	[tilespmem:s19], [sflag:$0x1] =	stream.linear.gather [hbm4b:s30+s3], $0x500, $0x38;
	[tilespmem:$0x6720] =	vst v63  }
0x51: {  	_ = 	snop  }
0x52: {  	[tilespmem:s20], [sflag:$0x1] =	stream.linear.gather [hbm4b:s29+s3], $0x500, $0x38;
	[tilespmem:$0x6720] =	vst v63  }
0x53: {  	_ =	swait.ge [sflag:s21], $0x500  }
0x54: {  	[sflag:s21] =	ssyncset.done $0x0  }
0x55: {  	[sflag:s21] =	ssyncadd.s32 $0xFFFFFB00  }
0x56: {  	_ =	swait.ge [sflag:s21], $0x500  }
0x57: {  	[sflag:s21] =	ssyncset.done $0x0  }
0x58: {  	[sflag:s21] =	ssyncadd.s32 $0xFFFFFB00  }
0x59: {  	_ =	swait.ge [sflag:s21], $0x500  }
0x5a: {  	[sflag:s21] =	ssyncset.done $0x0  }
0x5b: {  	[sflag:s21] =	ssyncadd.s32 $0xFFFFFB00  }
0x5c: {  	_ =	swait.ge [sflag:s21], $0x500  }
0x5d: {  	[sflag:s21] =	ssyncset.done $0x0  }
0x5e: {  	[sflag:s21] =	ssyncadd.s32 $0xFFFFFB00  }
0x5f: {  	_ =	swait.ge [sflag:s21], $0x500  }
0x60: {  	[sflag:s21] =	ssyncset.done $0x0  }
0x61: {  	s31 =	sshra.s32 s31, $0x2;
	[sflag:s21] =	ssyncadd.s32 $0xFFFFFB00  }
0x62: {  	[spmem:s2] =	stream.indirect.scatter.add.f32 [tilespmem:s16], [sflag:$0x2], $0x10, s31, s22, $0xb8;
	[tilespmem:$0x6720] =	vst v63  }
0x63: {  	_ =	swait.ge [sflag:s15], $0x500  }
0x64: {  	[sflag:s15] =	ssyncset.done $0x0  }
0x65: {  	s1 =	sadd.s32 $0x50, s31;
	[sflag:s15] =	ssyncadd.s32 $0xFFFFFB00  }
0x66: {  	[spmem:s2] =	stream.indirect.scatter.add.f32 [tilespmem:s17], [sflag:$0x2], $0x10, s1, s22, $0xb8;
	[tilespmem:$0x6720] =	vst v63  }
0x67: {  	_ =	swait.ge [sflag:s15], $0x500  }
0x68: {  	[sflag:s15] =	ssyncset.done $0x0  }
0x69: {  	s1 =	sadd.s32 $0xA0, s31;
	[sflag:s15] =	ssyncadd.s32 $0xFFFFFB00  }
0x6a: {  	[spmem:s2] =	stream.indirect.scatter.add.f32 [tilespmem:s18], [sflag:$0x2], $0x10, s1, s22, $0xb8;
	[tilespmem:$0x6720] =	vst v63  }
0x6b: {  	_ =	swait.ge [sflag:s15], $0x500  }
0x6c: {  	[sflag:s15] =	ssyncset.done $0x0  }
0x6d: {  	s1 =	sadd.s32 $0xF0, s31;
	[sflag:s15] =	ssyncadd.s32 $0xFFFFFB00  }
0x6e: {  	[spmem:s2] =	stream.indirect.scatter.add.f32 [tilespmem:s19], [sflag:$0x2], $0x10, s1, s22, $0xb8;
	[tilespmem:$0x6720] =	vst v63  }
0x6f: {  	_ =	swait.ge [sflag:s15], $0x500  }
.Ltmp0:
0x70: {  	[sflag:s15] =	ssyncset.done $0x0;
	(pc) =	sbr.rel @p0 .LBB2_2-.Ltmp0, $4  }
0x71: {  	s1 =	sadd.s32 $0x140, s31;
	[sflag:s15] =	ssyncadd.s32 $0xFFFFFB00  }
0x72: {  	[spmem:s2] =	stream.indirect.scatter.add.f32 [tilespmem:s20], [sflag:$0x2], $0x10, s1, s22, $0xb8;
	[tilespmem:$0x6720] =	vst v63  }
0x73: {  	s25 =	sadd.s32 $0x320, s25;
	_ =	swait.ge [sflag:s15], $0x500  }
0x74: {  	s28 =	sadd.s32 $0x320, s28;
	s26 =	sadd.s32 $0x320, s26;
	[sflag:s15] =	ssyncset.done $0x0  }
0x75: {  	s23 =	sadd.s32 $0x1, s23  }
0x76: {  	[sflag:s15] =	ssyncadd.s32 $0xFFFFFB00;
	p0 =	sne.s32 s23, s8  }
.Ltmp1:
0x77: {  	[bflag:$0x0] =	sbarrier.arrive $0xFFFF;
	(pc) =	sbr.rel @p0 .LBB2_1-.Ltmp1, $4  }
0x78: {  	[hbm:s7], [sflag:s5] =	dma.local [spmem:s14], $0x4E2  }
0x79: {  	_ =	swait.ge [sflag:s15], $0x4E2  }
0x7a: {  	[sflag:s15] =	ssyncset.done $0x0  }
0x7b: {  	[sflag:s15] =	ssyncadd.s32 $0xFFFFFB1E  }
0x7c: {  	_ =	sfence.sel $0x180000  }
0x7d: {  	[bflag:$0x0] =	sbarrier.arrive $0xFFFF  }
0x7e: {  	_ =	strace $0x9000004A  }
0x7f: {  	[bflag:$0x2] =	sbarrier.arrive $0xFFFF  }
0x80: {  	p0 =	sne.s32 s0, $0x0;
	s0 =	rddreg [dreg:$0x4]  }
0x81: {  	s0 =	sadd.s32 @!p0 $0x100000, s0  }
0x82: {  	[sflag:s0] =	ssyncadd.tile.s32 @!p0 $0x1;
	_ =	shalt  }
.Lfunc_end2:
_tile_overlayer_lowered:
.L_overlay_start_2:
0x83: {  	(tag) =	ssettag $0x2  }
0x84: {  	s0 =	rddreg [dreg:$0x0];
	s2 =	stileid.u32  }
0x85: {  	s1 =	rddreg [dreg:$0x1];
	p0 =	sne.s32 s2, $0x0  }
0x86: {  	s3 =	rddreg [dreg:$0x2];
	[bflag:$0x3] =	sbarrier.arrive $0xFFFF;
	s2 =	simm.s32 @!p0 $0x1C02  }
0x87: {  	[timem:s3], [sflag:s2] =	dma.local @!p0 [hbm:s0], s1  }
0x88: {  	s0 =	simm.s32 @!p0 $0x2  }
0x89: {  	_ =	swait.ge @!p0 [sflag:s0], s1  }
0x8a: {  	s1 =	ssub.s32 @!p0 $0x0, s1;
	[sflag:s0] =	ssyncset.done @!p0 $0x0  }
0x8b: {  	[sflag:s0] =	ssyncadd.s32 @!p0 s1  }
0x8c: {  	[bflag:$0x3] =	sbarrier.arrive $0xFFFF  }
0x8d: {  	_ =	shalt  }

</sc_bundles>
